<compile_context>
chip_gen: v7x
topology: tpu7x:2x2x1
jax: 0.10.2.dev20260603
libtpu: 0.0.44.dev20260713+nightly
codegen_flags: <defaults>
</compile_context>

<pallas_src>
import functools

import jax
import jax.numpy as jnp
from jax import lax
from jax.experimental import pallas as pl
from jax.experimental.pallas import tpu as pltpu
from jax.experimental.pallas import tpu_sc as plsc

_MIN_NORM = 1e-15
_PROJ_EPS = 4e-3

_NC = 2
_NS = 16
_NW = _NC * _NS
_L = 16

_CE = 8000


def _artanh(v):
    v = jnp.clip(v, -1.0 + 1e-7, 1.0 - 1e-7)
    return 0.5 * (jnp.log1p(v) - jnp.log1p(-v))


def _logmap0_packed_body(x_ref, ei_ref, o_ref, oe_ref):
    x = x_ref[...]
    nrm = jnp.sqrt(jnp.sum(x * x, axis=1, keepdims=True))
    nrm = jnp.maximum(nrm, _MIN_NORM)
    scale = _artanh(nrm) / nrm
    xt_t = (x * scale).astype(jnp.bfloat16).T
    half = xt_t.shape[0] // 2
    lo = lax.bitcast_convert_type(xt_t[:half], jnp.uint16).astype(jnp.int32)
    hi = lax.bitcast_convert_type(xt_t[half:], jnp.uint16).astype(jnp.int32)
    o_ref[...] = lo | (hi << 16)
    oe_ref[...] = ei_ref[0, :] + ei_ref[1, :] * 16384


def _expmap0_proj_body(a_ref, o_ref):
    u = a_ref[...].T
    u_norm = jnp.maximum(
        jnp.sqrt(jnp.sum(u * u, axis=1, keepdims=True)), _MIN_NORM
    )
    gamma = jnp.tanh(u_norm) * u / u_norm
    g_norm = jnp.maximum(
        jnp.sqrt(jnp.sum(gamma * gamma, axis=1, keepdims=True)), _MIN_NORM
    )
    maxnorm = 1.0 - _PROJ_EPS
    projected = gamma / g_norm * maxnorm
    o_ref[...] = jnp.where(g_norm > maxnorm, projected, gamma)


def _make_spmm(n, d, e):
    half = d // 2
    ppt = half // _NW
    fpt = 2 * ppt
    pk_words = ppt * n
    acc_words = fpt * n
    n_chunks = e // _CE
    gpc = _CE // _L
    assert n <= 16384
    assert n_chunks % 2 == 0

    mesh = plsc.VectorSubcoreMesh(core_axis_name="c", subcore_axis_name="s")

    @functools.partial(
        pl.kernel,
        mesh=mesh,
        compiler_params=pltpu.CompilerParams(needs_layout_passes=False),
        out_type=jax.ShapeDtypeStruct((d * n,), jnp.float32),
        scratch_types=[
            pltpu.VMEM((pk_words,), jnp.int32),
            pltpu.VMEM((acc_words,), jnp.float32),
            pltpu.VMEM((_CE + _L,), jnp.int32),
            pltpu.VMEM((_CE + _L,), jnp.int32),
            pltpu.VMEM((_CE + _L,), jnp.float32),
            pltpu.VMEM((_CE + _L,), jnp.float32),
            pltpu.SemaphoreType.DMA,
            pltpu.SemaphoreType.DMA,
            pltpu.SemaphoreType.DMA,
        ],
    )
    def spmm(
        pk_hbm,
        pair_hbm,
        w_hbm,
        out_hbm,
        pk_v,
        acc_v,
        ep0,
        ep1,
        ew0,
        ew1,
        sem0,
        sem1,
        semx,
    ):
        wid = lax.axis_index("s") * _NC + lax.axis_index("c")
        pk_base = pl.multiple_of(wid * pk_words, 8)
        xt_copy = pltpu.async_copy(pk_hbm.at[pl.ds(pk_base, pk_words)], pk_v, semx)
        pltpu.async_copy(pair_hbm.at[pl.ds(0, _CE)], ep0.at[pl.ds(0, _CE)], sem0)
        pltpu.async_copy(w_hbm.at[pl.ds(0, _CE)], ew0.at[pl.ds(0, _CE)], sem0)

        zeros = jnp.zeros((_L,), jnp.float32)

        def zero_body(i, carry):
            acc_v[pl.ds(i * _L, _L)] = zeros
            return carry

        lax.fori_loop(0, acc_words // _L, zero_body, 0, unroll=8)
        xt_copy.wait()

        pbufs = (ep0, ep1)
        wbufs = (ew0, ew1)
        sems = (sem0, sem1)
        himask = jnp.int32(-65536)

        def outer_body(o, carry):
            for b in range(2):
                c = o * 2 + b
                ep = pbufs[b]
                ew = wbufs[b]
                pltpu.make_async_copy(
                    pair_hbm.at[pl.ds(0, _CE)], ep.at[pl.ds(0, _CE)], sems[b]
                ).wait()
                pltpu.make_async_copy(
                    w_hbm.at[pl.ds(0, _CE)], ew.at[pl.ds(0, _CE)], sems[b]
                ).wait()
                @pl.when(c + 1 < n_chunks)
                def _():
                    off = pl.multiple_of((c + 1) * _CE, 8)
                    pltpu.async_copy(
                        pair_hbm.at[pl.ds(off, _CE)],
                        pbufs[1 - b].at[pl.ds(0, _CE)],
                        sems[1 - b],
                    )
                    pltpu.async_copy(
                        w_hbm.at[pl.ds(off, _CE)],
                        wbufs[1 - b].at[pl.ds(0, _CE)],
                        sems[1 - b],
                    )

                @plsc.parallel_loop(0, gpc, unroll=10)
                def _(g):
                    gb = g * _L
                    pair = ep[pl.ds(gb, _L)]
                    s = pair & 16383
                    dd = lax.shift_right_logical(pair, 14)
                    w = ew[pl.ds(gb, _L)]
                    pk = [
                        plsc.load_gather(pk_v, [s + p * n]) for p in range(ppt)
                    ]
                    for p in range(ppt):
                        lo = plsc.bitcast(pk[p] << 16, jnp.float32)
                        hi = plsc.bitcast(pk[p] & himask, jnp.float32)
                        plsc.addupdate_scatter(acc_v, [dd + p * n], lo * w)
                        plsc.addupdate_scatter(
                            acc_v, [dd + (ppt + p) * n], hi * w
                        )
            return carry

        lax.fori_loop(0, n_chunks // 2, outer_body, 0)
        lo_base = pl.multiple_of(wid * ppt * n, 8)
        hi_base = pl.multiple_of((half + wid * ppt) * n, 8)
        pltpu.sync_copy(
            acc_v.at[pl.ds(0, ppt * n)], out_hbm.at[pl.ds(lo_base, ppt * n)]
        )
        pltpu.sync_copy(
            acc_v.at[pl.ds(ppt * n, ppt * n)],
            out_hbm.at[pl.ds(hi_base, ppt * n)],
        )

    return spmm


@jax.jit
def kernel(x, edge_index, edge_weight):
    n, d = x.shape
    e = edge_index.shape[1]

    pk_t, pair = pl.pallas_call(
        _logmap0_packed_body,
        out_shape=(
            jax.ShapeDtypeStruct((d // 2, n), jnp.int32),
            jax.ShapeDtypeStruct((e,), jnp.int32),
        ),
    )(x, edge_index)

    spmm = _make_spmm(n, d, e)
    support_t = spmm(pk_t.reshape(d // 2 * n), pair, edge_weight)

    out = pl.pallas_call(
        _expmap0_proj_body,
        out_shape=jax.ShapeDtypeStruct((n, d), jnp.float32),
    )(support_t.reshape(d, n))

    return out

# --- scband reference (transcript-rebuilt; emitter-appended) ---
"""Pipeline reference for scband-hyp-agg-541165879722 (READ-ONLY COPY).

The authoritative reference and input builder live on the scoring server;
editing this copy changes nothing except your own understanding.
"""

import jax, jax.numpy as jnp
import numpy as np

N = 10000
E = 320000
D = 128
C = 1.0
MIN_NORM = 1e-15
PROJ_EPS = 4e-3


def _artanh(x):
    x = jnp.clip(x, -1.0 + 1e-7, 1.0 - 1e-7)
    return 0.5 * (jnp.log1p(x) - jnp.log1p(-x))


def _logmap0(p, c):
    sqrt_c = c ** 0.5
    p_norm = jnp.maximum(jnp.linalg.norm(p, axis=-1, keepdims=True), MIN_NORM)
    scale = _artanh(sqrt_c * p_norm) / (sqrt_c * p_norm)
    return scale * p


def _expmap0(u, c):
    sqrt_c = c ** 0.5
    u_norm = jnp.maximum(jnp.linalg.norm(u, axis=-1, keepdims=True), MIN_NORM)
    gamma_1 = jnp.tanh(sqrt_c * u_norm) * u / (sqrt_c * u_norm)
    return gamma_1


def _proj(x, c):
    sqrt_c = c ** 0.5
    norm = jnp.maximum(jnp.linalg.norm(x, axis=-1, keepdims=True), MIN_NORM)
    maxnorm = (1.0 - PROJ_EPS) / sqrt_c
    cond = norm > maxnorm
    projected = x / norm * maxnorm
    return jnp.where(cond, projected, x)


def setup_inputs(seed: int = 0):
    key = jax.random.key(seed)
    k1, k2, k3 = jax.random.split(key, 3)
    # scale so points lie inside the Poincare ball (norm < 1)
    x = 0.05 * jax.random.normal(k1, (N, D), dtype=jnp.float32)
    edge_index = jax.random.randint(k2, (2, E), 0, N, dtype=jnp.int32)
    edge_weight = jax.random.uniform(k3, (E,), dtype=jnp.float32)
    return {"x": x, "edge_index": edge_index, "edge_weight": edge_weight}


def reference(x, edge_index, edge_weight):
    # HypAgg.forward (use_att=False): logmap0 -> spmm(adj, x_tangent) -> proj(expmap0)
    x_tangent = _logmap0(x, C)
    src = edge_index[0]
    dst = edge_index[1]
    # sparse matrix-vector product: support_t[i] = sum_{(i,j) in adj} w_ij * x_tangent[j]
    msgs = jnp.take(x_tangent, src, axis=0) * edge_weight[:, None]
    support_t = jax.ops.segment_sum(msgs, dst, num_segments=N)
    output = _proj(_expmap0(support_t, C), C)
    return output

if __name__ == "__main__":
    import jax
    _d = setup_inputs()
    print(jax.jit(kernel)(*tuple(_d.values())))

</pallas_src>

<mosaic_0001>
#map = affine_map<(d0, d1) -> (0)>
module attributes {stable_mosaic.version = 14 : i64} {
  func.func @spmm(%arg0: i32, %arg1: i32, %arg2: memref<640000xi32, #tpu.memory_space<hbm>>, %arg3: memref<320000xi32, #tpu.memory_space<hbm>>, %arg4: memref<320000xf32, #tpu.memory_space<hbm>>, %arg5: memref<1280000xf32, #tpu.memory_space<hbm>>, %arg6: memref<20000xi32, #tpu.memory_space<vmem>>, %arg7: memref<40000xf32, #tpu.memory_space<vmem>>, %arg8: memref<8016xi32, #tpu.memory_space<vmem>>, %arg9: memref<8016xi32, #tpu.memory_space<vmem>>, %arg10: memref<8016xf32, #tpu.memory_space<vmem>>, %arg11: memref<8016xf32, #tpu.memory_space<vmem>>, %arg12: memref<!tpu.dma_semaphore, #tpu.memory_space<semaphore_mem>>, %arg13: memref<!tpu.dma_semaphore, #tpu.memory_space<semaphore_mem>>, %arg14: memref<!tpu.dma_semaphore, #tpu.memory_space<semaphore_mem>>) attributes {dimension_semantics = [#tpu.dimension_semantics<core_parallel>, #tpu.dimension_semantics<subcore_parallel>], iteration_bounds = array<i64: 2, 16>, scalar_prefetch = 0 : i64, scratch_operands = 9 : i64, tpu.core_type = #tpu.core_type<sc_vector_subcore>, window_params = [{transform_indices = #map}, {transform_indices = #map}, {transform_indices = #map}, {transform_indices = #map}]} {
    %mul3A = arith.constant 2 : i32
    %mul3A_0 = arith.muli %arg1, %mul3A : i32
    %add3A = arith.addi %mul3A_0, %arg0 : i32
    %mul3A_1 = arith.constant 20000 : i32
    %mul3A_2 = arith.muli %add3A, %mul3A_1 : i32
    %multiple_of3A = tpu.assume_multiple %mul3A_2, 8 : i32
    %dma_start3A = tpu.memref_slice %arg2[%multiple_of3A] : memref<640000xi32, #tpu.memory_space<hbm>> -> memref<20000xi32, #tpu.memory_space<hbm>>
    %dma_start3A_3 = tpu.memref_slice %arg2[%multiple_of3A] : memref<640000xi32, #tpu.memory_space<hbm>> -> memref<20000xi32, #tpu.memory_space<hbm>>
    tpu.enqueue_dma source(%dma_start3A_3 : memref<20000xi32, #tpu.memory_space<hbm>>) target(%arg6 : memref<20000xi32, #tpu.memory_space<vmem>>) target_semaphore(%arg14 : memref<!tpu.dma_semaphore, #tpu.memory_space<semaphore_mem>>)
    %dma_start3A_4 = arith.constant 0 : i32
    %dma_start3A_5 = tpu.memref_slice %arg8[%dma_start3A_4] : memref<8016xi32, #tpu.memory_space<vmem>> -> memref<8000xi32, #tpu.memory_space<vmem>>
    %dma_start3A_6 = arith.constant 0 : i32
    %dma_start3A_7 = tpu.memref_slice %arg3[%dma_start3A_6] : memref<320000xi32, #tpu.memory_space<hbm>> -> memref<8000xi32, #tpu.memory_space<hbm>>
    %dma_start3A_8 = arith.constant 0 : i32
    %dma_start3A_9 = tpu.memref_slice %arg8[%dma_start3A_8] : memref<8016xi32, #tpu.memory_space<vmem>> -> memref<8000xi32, #tpu.memory_space<vmem>>
    %dma_start3A_10 = arith.constant 0 : i32
    %dma_start3A_11 = tpu.memref_slice %arg3[%dma_start3A_10] : memref<320000xi32, #tpu.memory_space<hbm>> -> memref<8000xi32, #tpu.memory_space<hbm>>
    tpu.enqueue_dma source(%dma_start3A_11 : memref<8000xi32, #tpu.memory_space<hbm>>) target(%dma_start3A_9 : memref<8000xi32, #tpu.memory_space<vmem>>) target_semaphore(%arg12 : memref<!tpu.dma_semaphore, #tpu.memory_space<semaphore_mem>>)
    %dma_start3A_12 = arith.constant 0 : i32
    %dma_start3A_13 = tpu.memref_slice %arg10[%dma_start3A_12] : memref<8016xf32, #tpu.memory_space<vmem>> -> memref<8000xf32, #tpu.memory_space<vmem>>
    %dma_start3A_14 = arith.constant 0 : i32
    %dma_start3A_15 = tpu.memref_slice %arg4[%dma_start3A_14] : memref<320000xf32, #tpu.memory_space<hbm>> -> memref<8000xf32, #tpu.memory_space<hbm>>
    %dma_start3A_16 = arith.constant 0 : i32
    %dma_start3A_17 = tpu.memref_slice %arg10[%dma_start3A_16] : memref<8016xf32, #tpu.memory_space<vmem>> -> memref<8000xf32, #tpu.memory_space<vmem>>
    %dma_start3A_18 = arith.constant 0 : i32
    %dma_start3A_19 = tpu.memref_slice %arg4[%dma_start3A_18] : memref<320000xf32, #tpu.memory_space<hbm>> -> memref<8000xf32, #tpu.memory_space<hbm>>
    tpu.enqueue_dma source(%dma_start3A_19 : memref<8000xf32, #tpu.memory_space<hbm>>) target(%dma_start3A_17 : memref<8000xf32, #tpu.memory_space<vmem>>) target_semaphore(%arg12 : memref<!tpu.dma_semaphore, #tpu.memory_space<semaphore_mem>>)
    %broadcast_in_dim3A = arith.constant 0.000000e+00 : f32
    %broadcast_in_dim3A_20 = vector.broadcast %broadcast_in_dim3A : f32 to vector<16xf32>
    %scan3A = arith.constant 0 : i32
    %scan3A_21 = arith.constant 0 : i32
    %scan3A_22 = arith.constant 2496 : i32
    %scan3A_23 = arith.addi %scan3A_21, %scan3A_22 : i32
    %scan3A_24 = arith.constant 8 : i32
    scf.for %scan3A_69 = %scan3A_21 to %scan3A_23 step %scan3A_24  : i32 {
      %mul3A_70 = arith.constant 16 : i32
      %mul3A_71 = arith.muli %scan3A_69, %mul3A_70 : i32
      %swap3A_72 = arith.index_cast %mul3A_71 : i32 to index
      %swap3A_73 = tpu.vector_load %arg7[%swap3A_72] {strides = array<i32>} : memref<40000xf32, #tpu.memory_space<vmem>>, vector<16xf32>,
      tpu.vector_store %arg7[%swap3A_72], %broadcast_in_dim3A_20 {strides = array<i32>} : memref<40000xf32, #tpu.memory_space<vmem>>, vector<16xf32>,
      %scan3A_74 = arith.constant 1 : i32
      %scan3A_75 = arith.addi %scan3A_69, %scan3A_74 : i32
      %mul3A_76 = arith.constant 16 : i32
      %mul3A_77 = arith.muli %scan3A_75, %mul3A_76 : i32
      %swap3A_78 = arith.index_cast %mul3A_77 : i32 to index
      %swap3A_79 = tpu.vector_load %arg7[%swap3A_78] {strides = array<i32>} : memref<40000xf32, #tpu.memory_space<vmem>>, vector<16xf32>,
      tpu.vector_store %arg7[%swap3A_78], %broadcast_in_dim3A_20 {strides = array<i32>} : memref<40000xf32, #tpu.memory_space<vmem>>, vector<16xf32>,
      %scan3A_80 = arith.constant 2 : i32
      %scan3A_81 = arith.addi %scan3A_69, %scan3A_80 : i32
      %mul3A_82 = arith.constant 16 : i32
      %mul3A_83 = arith.muli %scan3A_81, %mul3A_82 : i32
      %swap3A_84 = arith.index_cast %mul3A_83 : i32 to index
      %swap3A_85 = tpu.vector_load %arg7[%swap3A_84] {strides = array<i32>} : memref<40000xf32, #tpu.memory_space<vmem>>, vector<16xf32>,
      tpu.vector_store %arg7[%swap3A_84], %broadcast_in_dim3A_20 {strides = array<i32>} : memref<40000xf32, #tpu.memory_space<vmem>>, vector<16xf32>,
      %scan3A_86 = arith.constant 3 : i32
      %scan3A_87 = arith.addi %scan3A_69, %scan3A_86 : i32
      %mul3A_88 = arith.constant 16 : i32
      %mul3A_89 = arith.muli %scan3A_87, %mul3A_88 : i32
      %swap3A_90 = arith.index_cast %mul3A_89 : i32 to index
      %swap3A_91 = tpu.vector_load %arg7[%swap3A_90] {strides = array<i32>} : memref<40000xf32, #tpu.memory_space<vmem>>, vector<16xf32>,
      tpu.vector_store %arg7[%swap3A_90], %broadcast_in_dim3A_20 {strides = array<i32>} : memref<40000xf32, #tpu.memory_space<vmem>>, vector<16xf32>,
      %scan3A_92 = arith.constant 4 : i32
      %scan3A_93 = arith.addi %scan3A_69, %scan3A_92 : i32
      %mul3A_94 = arith.constant 16 : i32
      %mul3A_95 = arith.muli %scan3A_93, %mul3A_94 : i32
      %swap3A_96 = arith.index_cast %mul3A_95 : i32 to index
      %swap3A_97 = tpu.vector_load %arg7[%swap3A_96] {strides = array<i32>} : memref<40000xf32, #tpu.memory_space<vmem>>, vector<16xf32>,
      tpu.vector_store %arg7[%swap3A_96], %broadcast_in_dim3A_20 {strides = array<i32>} : memref<40000xf32, #tpu.memory_space<vmem>>, vector<16xf32>,
      %scan3A_98 = arith.constant 5 : i32
      %scan3A_99 = arith.addi %scan3A_69, %scan3A_98 : i32
      %mul3A_100 = arith.constant 16 : i32
      %mul3A_101 = arith.muli %scan3A_99, %mul3A_100 : i32
      %swap3A_102 = arith.index_cast %mul3A_101 : i32 to index
      %swap3A_103 = tpu.vector_load %arg7[%swap3A_102] {strides = array<i32>} : memref<40000xf32, #tpu.memory_space<vmem>>, vector<16xf32>,
      tpu.vector_store %arg7[%swap3A_102], %broadcast_in_dim3A_20 {strides = array<i32>} : memref<40000xf32, #tpu.memory_space<vmem>>, vector<16xf32>,
      %scan3A_104 = arith.constant 6 : i32
      %scan3A_105 = arith.addi %scan3A_69, %scan3A_104 : i32
      %mul3A_106 = arith.constant 16 : i32
      %mul3A_107 = arith.muli %scan3A_105, %mul3A_106 : i32
      %swap3A_108 = arith.index_cast %mul3A_107 : i32 to index
      %swap3A_109 = tpu.vector_load %arg7[%swap3A_108] {strides = array<i32>} : memref<40000xf32, #tpu.memory_space<vmem>>, vector<16xf32>,
      tpu.vector_store %arg7[%swap3A_108], %broadcast_in_dim3A_20 {strides = array<i32>} : memref<40000xf32, #tpu.memory_space<vmem>>, vector<16xf32>,
      %scan3A_110 = arith.constant 7 : i32
      %scan3A_111 = arith.addi %scan3A_69, %scan3A_110 : i32
      %mul3A_112 = arith.constant 16 : i32
      %mul3A_113 = arith.muli %scan3A_111, %mul3A_112 : i32
      %swap3A_114 = arith.index_cast %mul3A_113 : i32 to index
      %swap3A_115 = tpu.vector_load %arg7[%swap3A_114] {strides = array<i32>} : memref<40000xf32, #tpu.memory_space<vmem>>, vector<16xf32>,
      tpu.vector_store %arg7[%swap3A_114], %broadcast_in_dim3A_20 {strides = array<i32>} : memref<40000xf32, #tpu.memory_space<vmem>>, vector<16xf32>,
    }
    %scan3A_25 = arith.constant 2496 : i32
    %scan3A_26 = arith.addi %scan3A_21, %scan3A_25 : i32
    %mul3A_27 = arith.constant 16 : i32
    %mul3A_28 = arith.muli %scan3A_26, %mul3A_27 : i32
    %swap3A = arith.index_cast %mul3A_28 : i32 to index
    %swap3A_29 = tpu.vector_load %arg7[%swap3A] {strides = array<i32>} : memref<40000xf32, #tpu.memory_space<vmem>>, vector<16xf32>,
    tpu.vector_store %arg7[%swap3A], %broadcast_in_dim3A_20 {strides = array<i32>} : memref<40000xf32, #tpu.memory_space<vmem>>, vector<16xf32>,
    %scan3A_30 = arith.constant 2497 : i32
    %scan3A_31 = arith.addi %scan3A_21, %scan3A_30 : i32
    %mul3A_32 = arith.constant 16 : i32
    %mul3A_33 = arith.muli %scan3A_31, %mul3A_32 : i32
    %swap3A_34 = arith.index_cast %mul3A_33 : i32 to index
    %swap3A_35 = tpu.vector_load %arg7[%swap3A_34] {strides = array<i32>} : memref<40000xf32, #tpu.memory_space<vmem>>, vector<16xf32>,
    tpu.vector_store %arg7[%swap3A_34], %broadcast_in_dim3A_20 {strides = array<i32>} : memref<40000xf32, #tpu.memory_space<vmem>>, vector<16xf32>,
    %scan3A_36 = arith.constant 2498 : i32
    %scan3A_37 = arith.addi %scan3A_21, %scan3A_36 : i32
    %mul3A_38 = arith.constant 16 : i32
    %mul3A_39 = arith.muli %scan3A_37, %mul3A_38 : i32
    %swap3A_40 = arith.index_cast %mul3A_39 : i32 to index
    %swap3A_41 = tpu.vector_load %arg7[%swap3A_40] {strides = array<i32>} : memref<40000xf32, #tpu.memory_space<vmem>>, vector<16xf32>,
    tpu.vector_store %arg7[%swap3A_40], %broadcast_in_dim3A_20 {strides = array<i32>} : memref<40000xf32, #tpu.memory_space<vmem>>, vector<16xf32>,
    %scan3A_42 = arith.constant 2499 : i32
    %scan3A_43 = arith.addi %scan3A_21, %scan3A_42 : i32
    %mul3A_44 = arith.constant 16 : i32
    %mul3A_45 = arith.muli %scan3A_43, %mul3A_44 : i32
    %swap3A_46 = arith.index_cast %mul3A_45 : i32 to index
    %swap3A_47 = tpu.vector_load %arg7[%swap3A_46] {strides = array<i32>} : memref<40000xf32, #tpu.memory_space<vmem>>, vector<16xf32>,
    tpu.vector_store %arg7[%swap3A_46], %broadcast_in_dim3A_20 {strides = array<i32>} : memref<40000xf32, #tpu.memory_space<vmem>>, vector<16xf32>,
    %scan3A_48 = arith.constant 2500 : i32
    %dma_wait3A = tpu.memref_slice %arg2[%multiple_of3A] : memref<640000xi32, #tpu.memory_space<hbm>> -> memref<20000xi32, #tpu.memory_space<hbm>>
    %dma_wait3A_49 = tpu.memref_slice %arg2[%multiple_of3A] : memref<640000xi32, #tpu.memory_space<hbm>> -> memref<20000xi32, #tpu.memory_space<hbm>>
    tpu.wait_dma2 semaphore(%arg14 : memref<!tpu.dma_semaphore, #tpu.memory_space<semaphore_mem>>) src(%dma_wait3A_49 : memref<20000xi32, #tpu.memory_space<hbm>>) dst(%arg6 : memref<20000xi32, #tpu.memory_space<vmem>>)
    %scan3A_50 = arith.constant 0 : i32
    %scan3A_51 = arith.constant -65536 : i32
    %scan3A_52 = arith.constant 0 : i32
    %scan3A_53 = arith.constant 20 : i32
    %scan3A_54 = arith.addi %scan3A_52, %scan3A_53 : i32
    %scan3A_55 = arith.constant 1 : i32
    scf.for %scan3A_69 = %scan3A_52 to %scan3A_54 step %scan3A_55  : i32 {
      %mul3A_70 = arith.constant 2 : i32
      %mul3A_71 = arith.muli %scan3A_69, %mul3A_70 : i32
      %add3A_72 = arith.constant 0 : i32
      %add3A_73 = arith.addi %mul3A_71, %add3A_72 : i32
      %dma_wait3A_74 = arith.constant 0 : i32
      %dma_wait3A_75 = tpu.memref_slice %arg8[%dma_wait3A_74] : memref<8016xi32, #tpu.memory_space<vmem>> -> memref<8000xi32, #tpu.memory_space<vmem>>
      %dma_wait3A_76 = arith.constant 0 : i32
      %dma_wait3A_77 = tpu.memref_slice %arg3[%dma_wait3A_76] : memref<320000xi32, #tpu.memory_space<hbm>> -> memref<8000xi32, #tpu.memory_space<hbm>>
      %dma_wait3A_78 = arith.constant 0 : i32
      %dma_wait3A_79 = tpu.memref_slice %arg8[%dma_wait3A_78] : memref<8016xi32, #tpu.memory_space<vmem>> -> memref<8000xi32, #tpu.memory_space<vmem>>
      %dma_wait3A_80 = arith.constant 0 : i32
      %dma_wait3A_81 = tpu.memref_slice %arg3[%dma_wait3A_80] : memref<320000xi32, #tpu.memory_space<hbm>> -> memref<8000xi32, #tpu.memory_space<hbm>>
      tpu.wait_dma2 semaphore(%arg12 : memref<!tpu.dma_semaphore, #tpu.memory_space<semaphore_mem>>) src(%dma_wait3A_81 : memref<8000xi32, #tpu.memory_space<hbm>>) dst(%dma_wait3A_79 : memref<8000xi32, #tpu.memory_space<vmem>>)
      %dma_wait3A_82 = arith.constant 0 : i32
      %dma_wait3A_83 = tpu.memref_slice %arg10[%dma_wait3A_82] : memref<8016xf32, #tpu.memory_space<vmem>> -> memref<8000xf32, #tpu.memory_space<vmem>>
      %dma_wait3A_84 = arith.constant 0 : i32
      %dma_wait3A_85 = tpu.memref_slice %arg4[%dma_wait3A_84] : memref<320000xf32, #tpu.memory_space<hbm>> -> memref<8000xf32, #tpu.memory_space<hbm>>
      %dma_wait3A_86 = arith.constant 0 : i32
      %dma_wait3A_87 = tpu.memref_slice %arg10[%dma_wait3A_86] : memref<8016xf32, #tpu.memory_space<vmem>> -> memref<8000xf32, #tpu.memory_space<vmem>>
      %dma_wait3A_88 = arith.constant 0 : i32
      %dma_wait3A_89 = tpu.memref_slice %arg4[%dma_wait3A_88] : memref<320000xf32, #tpu.memory_space<hbm>> -> memref<8000xf32, #tpu.memory_space<hbm>>
      tpu.wait_dma2 semaphore(%arg12 : memref<!tpu.dma_semaphore, #tpu.memory_space<semaphore_mem>>) src(%dma_wait3A_89 : memref<8000xf32, #tpu.memory_space<hbm>>) dst(%dma_wait3A_87 : memref<8000xf32, #tpu.memory_space<vmem>>)
      %add3A_90 = arith.constant 1 : i32
      %add3A_91 = arith.addi %add3A_73, %add3A_90 : i32
      %lt3A = arith.constant 40 : i32
      %lt3A_92 = arith.cmpi slt, %add3A_91, %lt3A : i32
      %convert_element_type3A = arith.extui %lt3A_92 : i1 to i32
      %cond3A = arith.constant 0 : i32
      %cond3A_93 = arith.cmpi ne, %convert_element_type3A, %cond3A : i32
      scf.if %cond3A_93 {
        %add3A_126 = arith.constant 1 : i32
        %add3A_127 = arith.addi %add3A_73, %add3A_126 : i32
        %mul3A_128 = arith.constant 8000 : i32
        %mul3A_129 = arith.muli %add3A_127, %mul3A_128 : i32
        %multiple_of3A_130 = tpu.assume_multiple %mul3A_129, 8 : i32
        %dma_start3A_131 = arith.constant 0 : i32
        %dma_start3A_132 = tpu.memref_slice %arg9[%dma_start3A_131] : memref<8016xi32, #tpu.memory_space<vmem>> -> memref<8000xi32, #tpu.memory_space<vmem>>
        %dma_start3A_133 = tpu.memref_slice %arg3[%multiple_of3A_130] : memref<320000xi32, #tpu.memory_space<hbm>> -> memref<8000xi32, #tpu.memory_space<hbm>>
        %dma_start3A_134 = arith.constant 0 : i32
        %dma_start3A_135 = tpu.memref_slice %arg9[%dma_start3A_134] : memref<8016xi32, #tpu.memory_space<vmem>> -> memref<8000xi32, #tpu.memory_space<vmem>>
        %dma_start3A_136 = tpu.memref_slice %arg3[%multiple_of3A_130] : memref<320000xi32, #tpu.memory_space<hbm>> -> memref<8000xi32, #tpu.memory_space<hbm>>
        tpu.enqueue_dma source(%dma_start3A_136 : memref<8000xi32, #tpu.memory_space<hbm>>) target(%dma_start3A_135 : memref<8000xi32, #tpu.memory_space<vmem>>) target_semaphore(%arg13 : memref<!tpu.dma_semaphore, #tpu.memory_space<semaphore_mem>>)
        %dma_start3A_137 = arith.constant 0 : i32
        %dma_start3A_138 = tpu.memref_slice %arg11[%dma_start3A_137] : memref<8016xf32, #tpu.memory_space<vmem>> -> memref<8000xf32, #tpu.memory_space<vmem>>
        %dma_start3A_139 = tpu.memref_slice %arg4[%multiple_of3A_130] : memref<320000xf32, #tpu.memory_space<hbm>> -> memref<8000xf32, #tpu.memory_space<hbm>>
        %dma_start3A_140 = arith.constant 0 : i32
        %dma_start3A_141 = tpu.memref_slice %arg11[%dma_start3A_140] : memref<8016xf32, #tpu.memory_space<vmem>> -> memref<8000xf32, #tpu.memory_space<vmem>>
        %dma_start3A_142 = tpu.memref_slice %arg4[%multiple_of3A_130] : memref<320000xf32, #tpu.memory_space<hbm>> -> memref<8000xf32, #tpu.memory_space<hbm>>
        tpu.enqueue_dma source(%dma_start3A_142 : memref<8000xf32, #tpu.memory_space<hbm>>) target(%dma_start3A_141 : memref<8000xf32, #tpu.memory_space<vmem>>) target_semaphore(%arg13 : memref<!tpu.dma_semaphore, #tpu.memory_space<semaphore_mem>>)
      } else {
      }
      %parallel_loop3A = arith.constant 0 : i32
      %parallel_loop3A_94 = arith.constant 500 : i32
      %parallel_loop3A_95 = arith.constant 1 : i32
      scf.for %parallel_loop3A_126 = %parallel_loop3A to %parallel_loop3A_94 step %parallel_loop3A_95  : i32 {
        %parallel_loop3A_127 = arith.constant 16 : i32
        %parallel_loop3A_128 = arith.muli %parallel_loop3A_126, %parallel_loop3A_127 : i32
        %parallel_loop3A_129 = arith.index_cast %parallel_loop3A_128 : i32 to index
        %parallel_loop3A_130 = tpu.vector_load %arg8[%parallel_loop3A_129] {strides = array<i32>} : memref<8016xi32, #tpu.memory_space<vmem>>, vector<16xi32>,
        %parallel_loop3A_131 = arith.constant 16383 : i32
        %parallel_loop3A_132 = vector.broadcast %parallel_loop3A_131 : i32 to vector<16xi32>
        %parallel_loop3A_133 = arith.andi %parallel_loop3A_130, %parallel_loop3A_132 : vector<16xi32>
        %parallel_loop3A_134 = arith.constant 14 : i32
        %parallel_loop3A_135 = vector.broadcast %parallel_loop3A_134 : i32 to vector<16xi32>
        %parallel_loop3A_136 = arith.shrui %parallel_loop3A_130, %parallel_loop3A_135 : vector<16xi32>
        %parallel_loop3A_137 = arith.index_cast %parallel_loop3A_128 : i32 to index
        %parallel_loop3A_138 = tpu.vector_load %arg10[%parallel_loop3A_137] {strides = array<i32>} : memref<8016xf32, #tpu.memory_space<vmem>>, vector<16xf32>,
        %parallel_loop3A_139 = arith.constant 0 : i32
        %parallel_loop3A_140 = vector.broadcast %parallel_loop3A_139 : i32 to vector<16xi32>
        %parallel_loop3A_141 = arith.addi %parallel_loop3A_133, %parallel_loop3A_140 : vector<16xi32>
        %parallel_loop3A_142 = tpu.vector_load_idx %arg6[%parallel_loop3A_141] : memref<20000xi32, #tpu.memory_space<vmem>>[vector<16xi32>], vector<16xi32>,
        %parallel_loop3A_143 = arith.constant 10000 : i32
        %parallel_loop3A_144 = vector.broadcast %parallel_loop3A_143 : i32 to vector<16xi32>
        %parallel_loop3A_145 = arith.addi %parallel_loop3A_133, %parallel_loop3A_144 : vector<16xi32>
        %parallel_loop3A_146 = tpu.vector_load_idx %arg6[%parallel_loop3A_145] : memref<20000xi32, #tpu.memory_space<vmem>>[vector<16xi32>], vector<16xi32>,
        %parallel_loop3A_147 = arith.constant 16 : i32
        %parallel_loop3A_148 = vector.broadcast %parallel_loop3A_147 : i32 to vector<16xi32>
        %parallel_loop3A_149 = arith.shli %parallel_loop3A_142, %parallel_loop3A_148 : vector<16xi32>
        %parallel_loop3A_150 = vector.bitcast %parallel_loop3A_149 : vector<16xi32> to vector<16xf32>
        %parallel_loop3A_151 = vector.broadcast %scan3A_51 : i32 to vector<16xi32>
        %parallel_loop3A_152 = arith.andi %parallel_loop3A_142, %parallel_loop3A_151 : vector<16xi32>
        %parallel_loop3A_153 = vector.bitcast %parallel_loop3A_152 : vector<16xi32> to vector<16xf32>
        %parallel_loop3A_154 = arith.constant 0 : i32
        %parallel_loop3A_155 = vector.broadcast %parallel_loop3A_154 : i32 to vector<16xi32>
        %parallel_loop3A_156 = arith.addi %parallel_loop3A_136, %parallel_loop3A_155 : vector<16xi32>
        %parallel_loop3A_157 = arith.mulf %parallel_loop3A_150, %parallel_loop3A_138 : vector<16xf32>
        tpu.vector_store_idx %arg7[%parallel_loop3A_156], %parallel_loop3A_157 {add = true} : memref<40000xf32, #tpu.memory_space<vmem>>[vector<16xi32>], vector<16xf32>,
        %parallel_loop3A_158 = arith.constant 20000 : i32
        %parallel_loop3A_159 = vector.broadcast %parallel_loop3A_158 : i32 to vector<16xi32>
        %parallel_loop3A_160 = arith.addi %parallel_loop3A_136, %parallel_loop3A_159 : vector<16xi32>
        %parallel_loop3A_161 = arith.mulf %parallel_loop3A_153, %parallel_loop3A_138 : vector<16xf32>
        tpu.vector_store_idx %arg7[%parallel_loop3A_160], %parallel_loop3A_161 {add = true} : memref<40000xf32, #tpu.memory_space<vmem>>[vector<16xi32>], vector<16xf32>,
        %parallel_loop3A_162 = arith.constant 16 : i32
        %parallel_loop3A_163 = vector.broadcast %parallel_loop3A_162 : i32 to vector<16xi32>
        %parallel_loop3A_164 = arith.shli %parallel_loop3A_146, %parallel_loop3A_163 : vector<16xi32>
        %parallel_loop3A_165 = vector.bitcast %parallel_loop3A_164 : vector<16xi32> to vector<16xf32>
        %parallel_loop3A_166 = vector.broadcast %scan3A_51 : i32 to vector<16xi32>
        %parallel_loop3A_167 = arith.andi %parallel_loop3A_146, %parallel_loop3A_166 : vector<16xi32>
        %parallel_loop3A_168 = vector.bitcast %parallel_loop3A_167 : vector<16xi32> to vector<16xf32>
        %parallel_loop3A_169 = arith.constant 10000 : i32
        %parallel_loop3A_170 = vector.broadcast %parallel_loop3A_169 : i32 to vector<16xi32>
        %parallel_loop3A_171 = arith.addi %parallel_loop3A_136, %parallel_loop3A_170 : vector<16xi32>
        %parallel_loop3A_172 = arith.mulf %parallel_loop3A_165, %parallel_loop3A_138 : vector<16xf32>
        tpu.vector_store_idx %arg7[%parallel_loop3A_171], %parallel_loop3A_172 {add = true} : memref<40000xf32, #tpu.memory_space<vmem>>[vector<16xi32>], vector<16xf32>,
        %parallel_loop3A_173 = arith.constant 30000 : i32
        %parallel_loop3A_174 = vector.broadcast %parallel_loop3A_173 : i32 to vector<16xi32>
        %parallel_loop3A_175 = arith.addi %parallel_loop3A_136, %parallel_loop3A_174 : vector<16xi32>
        %parallel_loop3A_176 = arith.mulf %parallel_loop3A_168, %parallel_loop3A_138 : vector<16xf32>
        tpu.vector_store_idx %arg7[%parallel_loop3A_175], %parallel_loop3A_176 {add = true} : memref<40000xf32, #tpu.memory_space<vmem>>[vector<16xi32>], vector<16xf32>,
      } {sc.loop_unroll_factor = 10 : i64, sc.parallel_access}
      %mul3A_96 = arith.constant 2 : i32
      %mul3A_97 = arith.muli %scan3A_69, %mul3A_96 : i32
      %add3A_98 = arith.constant 1 : i32
      %add3A_99 = arith.addi %mul3A_97, %add3A_98 : i32
      %dma_wait3A_100 = arith.constant 0 : i32
      %dma_wait3A_101 = tpu.memref_slice %arg9[%dma_wait3A_100] : memref<8016xi32, #tpu.memory_space<vmem>> -> memref<8000xi32, #tpu.memory_space<vmem>>
      %dma_wait3A_102 = arith.constant 0 : i32
      %dma_wait3A_103 = tpu.memref_slice %arg3[%dma_wait3A_102] : memref<320000xi32, #tpu.memory_space<hbm>> -> memref<8000xi32, #tpu.memory_space<hbm>>
      %dma_wait3A_104 = arith.constant 0 : i32
      %dma_wait3A_105 = tpu.memref_slice %arg9[%dma_wait3A_104] : memref<8016xi32, #tpu.memory_space<vmem>> -> memref<8000xi32, #tpu.memory_space<vmem>>
      %dma_wait3A_106 = arith.constant 0 : i32
      %dma_wait3A_107 = tpu.memref_slice %arg3[%dma_wait3A_106] : memref<320000xi32, #tpu.memory_space<hbm>> -> memref<8000xi32, #tpu.memory_space<hbm>>
      tpu.wait_dma2 semaphore(%arg13 : memref<!tpu.dma_semaphore, #tpu.memory_space<semaphore_mem>>) src(%dma_wait3A_107 : memref<8000xi32, #tpu.memory_space<hbm>>) dst(%dma_wait3A_105 : memref<8000xi32, #tpu.memory_space<vmem>>)
      %dma_wait3A_108 = arith.constant 0 : i32
      %dma_wait3A_109 = tpu.memref_slice %arg11[%dma_wait3A_108] : memref<8016xf32, #tpu.memory_space<vmem>> -> memref<8000xf32, #tpu.memory_space<vmem>>
      %dma_wait3A_110 = arith.constant 0 : i32
      %dma_wait3A_111 = tpu.memref_slice %arg4[%dma_wait3A_110] : memref<320000xf32, #tpu.memory_space<hbm>> -> memref<8000xf32, #tpu.memory_space<hbm>>
      %dma_wait3A_112 = arith.constant 0 : i32
      %dma_wait3A_113 = tpu.memref_slice %arg11[%dma_wait3A_112] : memref<8016xf32, #tpu.memory_space<vmem>> -> memref<8000xf32, #tpu.memory_space<vmem>>
      %dma_wait3A_114 = arith.constant 0 : i32
      %dma_wait3A_115 = tpu.memref_slice %arg4[%dma_wait3A_114] : memref<320000xf32, #tpu.memory_space<hbm>> -> memref<8000xf32, #tpu.memory_space<hbm>>
      tpu.wait_dma2 semaphore(%arg13 : memref<!tpu.dma_semaphore, #tpu.memory_space<semaphore_mem>>) src(%dma_wait3A_115 : memref<8000xf32, #tpu.memory_space<hbm>>) dst(%dma_wait3A_113 : memref<8000xf32, #tpu.memory_space<vmem>>)
      %add3A_116 = arith.constant 1 : i32
      %add3A_117 = arith.addi %add3A_99, %add3A_116 : i32
      %lt3A_118 = arith.constant 40 : i32
      %lt3A_119 = arith.cmpi slt, %add3A_117, %lt3A_118 : i32
      %convert_element_type3A_120 = arith.extui %lt3A_119 : i1 to i32
      %cond3A_121 = arith.constant 0 : i32
      %cond3A_122 = arith.cmpi ne, %convert_element_type3A_120, %cond3A_121 : i32
      scf.if %cond3A_122 {
        %add3A_126 = arith.constant 1 : i32
        %add3A_127 = arith.addi %add3A_99, %add3A_126 : i32
        %mul3A_128 = arith.constant 8000 : i32
        %mul3A_129 = arith.muli %add3A_127, %mul3A_128 : i32
        %multiple_of3A_130 = tpu.assume_multiple %mul3A_129, 8 : i32
        %dma_start3A_131 = arith.constant 0 : i32
        %dma_start3A_132 = tpu.memref_slice %arg8[%dma_start3A_131] : memref<8016xi32, #tpu.memory_space<vmem>> -> memref<8000xi32, #tpu.memory_space<vmem>>
        %dma_start3A_133 = tpu.memref_slice %arg3[%multiple_of3A_130] : memref<320000xi32, #tpu.memory_space<hbm>> -> memref<8000xi32, #tpu.memory_space<hbm>>
        %dma_start3A_134 = arith.constant 0 : i32
        %dma_start3A_135 = tpu.memref_slice %arg8[%dma_start3A_134] : memref<8016xi32, #tpu.memory_space<vmem>> -> memref<8000xi32, #tpu.memory_space<vmem>>
        %dma_start3A_136 = tpu.memref_slice %arg3[%multiple_of3A_130] : memref<320000xi32, #tpu.memory_space<hbm>> -> memref<8000xi32, #tpu.memory_space<hbm>>
        tpu.enqueue_dma source(%dma_start3A_136 : memref<8000xi32, #tpu.memory_space<hbm>>) target(%dma_start3A_135 : memref<8000xi32, #tpu.memory_space<vmem>>) target_semaphore(%arg12 : memref<!tpu.dma_semaphore, #tpu.memory_space<semaphore_mem>>)
        %dma_start3A_137 = arith.constant 0 : i32
        %dma_start3A_138 = tpu.memref_slice %arg10[%dma_start3A_137] : memref<8016xf32, #tpu.memory_space<vmem>> -> memref<8000xf32, #tpu.memory_space<vmem>>
        %dma_start3A_139 = tpu.memref_slice %arg4[%multiple_of3A_130] : memref<320000xf32, #tpu.memory_space<hbm>> -> memref<8000xf32, #tpu.memory_space<hbm>>
        %dma_start3A_140 = arith.constant 0 : i32
        %dma_start3A_141 = tpu.memref_slice %arg10[%dma_start3A_140] : memref<8016xf32, #tpu.memory_space<vmem>> -> memref<8000xf32, #tpu.memory_space<vmem>>
        %dma_start3A_142 = tpu.memref_slice %arg4[%multiple_of3A_130] : memref<320000xf32, #tpu.memory_space<hbm>> -> memref<8000xf32, #tpu.memory_space<hbm>>
        tpu.enqueue_dma source(%dma_start3A_142 : memref<8000xf32, #tpu.memory_space<hbm>>) target(%dma_start3A_141 : memref<8000xf32, #tpu.memory_space<vmem>>) target_semaphore(%arg12 : memref<!tpu.dma_semaphore, #tpu.memory_space<semaphore_mem>>)
      } else {
      }
      %parallel_loop3A_123 = arith.constant 0 : i32
      %parallel_loop3A_124 = arith.constant 500 : i32
      %parallel_loop3A_125 = arith.constant 1 : i32
      scf.for %parallel_loop3A_126 = %parallel_loop3A_123 to %parallel_loop3A_124 step %parallel_loop3A_125  : i32 {
        %parallel_loop3A_127 = arith.constant 16 : i32
        %parallel_loop3A_128 = arith.muli %parallel_loop3A_126, %parallel_loop3A_127 : i32
        %parallel_loop3A_129 = arith.index_cast %parallel_loop3A_128 : i32 to index
        %parallel_loop3A_130 = tpu.vector_load %arg9[%parallel_loop3A_129] {strides = array<i32>} : memref<8016xi32, #tpu.memory_space<vmem>>, vector<16xi32>,
        %parallel_loop3A_131 = arith.constant 16383 : i32
        %parallel_loop3A_132 = vector.broadcast %parallel_loop3A_131 : i32 to vector<16xi32>
        %parallel_loop3A_133 = arith.andi %parallel_loop3A_130, %parallel_loop3A_132 : vector<16xi32>
        %parallel_loop3A_134 = arith.constant 14 : i32
        %parallel_loop3A_135 = vector.broadcast %parallel_loop3A_134 : i32 to vector<16xi32>
        %parallel_loop3A_136 = arith.shrui %parallel_loop3A_130, %parallel_loop3A_135 : vector<16xi32>
        %parallel_loop3A_137 = arith.index_cast %parallel_loop3A_128 : i32 to index
        %parallel_loop3A_138 = tpu.vector_load %arg11[%parallel_loop3A_137] {strides = array<i32>} : memref<8016xf32, #tpu.memory_space<vmem>>, vector<16xf32>,
        %parallel_loop3A_139 = arith.constant 0 : i32
        %parallel_loop3A_140 = vector.broadcast %parallel_loop3A_139 : i32 to vector<16xi32>
        %parallel_loop3A_141 = arith.addi %parallel_loop3A_133, %parallel_loop3A_140 : vector<16xi32>
        %parallel_loop3A_142 = tpu.vector_load_idx %arg6[%parallel_loop3A_141] : memref<20000xi32, #tpu.memory_space<vmem>>[vector<16xi32>], vector<16xi32>,
        %parallel_loop3A_143 = arith.constant 10000 : i32
        %parallel_loop3A_144 = vector.broadcast %parallel_loop3A_143 : i32 to vector<16xi32>
        %parallel_loop3A_145 = arith.addi %parallel_loop3A_133, %parallel_loop3A_144 : vector<16xi32>
        %parallel_loop3A_146 = tpu.vector_load_idx %arg6[%parallel_loop3A_145] : memref<20000xi32, #tpu.memory_space<vmem>>[vector<16xi32>], vector<16xi32>,
        %parallel_loop3A_147 = arith.constant 16 : i32
        %parallel_loop3A_148 = vector.broadcast %parallel_loop3A_147 : i32 to vector<16xi32>
        %parallel_loop3A_149 = arith.shli %parallel_loop3A_142, %parallel_loop3A_148 : vector<16xi32>
        %parallel_loop3A_150 = vector.bitcast %parallel_loop3A_149 : vector<16xi32> to vector<16xf32>
        %parallel_loop3A_151 = vector.broadcast %scan3A_51 : i32 to vector<16xi32>
        %parallel_loop3A_152 = arith.andi %parallel_loop3A_142, %parallel_loop3A_151 : vector<16xi32>
        %parallel_loop3A_153 = vector.bitcast %parallel_loop3A_152 : vector<16xi32> to vector<16xf32>
        %parallel_loop3A_154 = arith.constant 0 : i32
        %parallel_loop3A_155 = vector.broadcast %parallel_loop3A_154 : i32 to vector<16xi32>
        %parallel_loop3A_156 = arith.addi %parallel_loop3A_136, %parallel_loop3A_155 : vector<16xi32>
        %parallel_loop3A_157 = arith.mulf %parallel_loop3A_150, %parallel_loop3A_138 : vector<16xf32>
        tpu.vector_store_idx %arg7[%parallel_loop3A_156], %parallel_loop3A_157 {add = true} : memref<40000xf32, #tpu.memory_space<vmem>>[vector<16xi32>], vector<16xf32>,
        %parallel_loop3A_158 = arith.constant 20000 : i32
        %parallel_loop3A_159 = vector.broadcast %parallel_loop3A_158 : i32 to vector<16xi32>
        %parallel_loop3A_160 = arith.addi %parallel_loop3A_136, %parallel_loop3A_159 : vector<16xi32>
        %parallel_loop3A_161 = arith.mulf %parallel_loop3A_153, %parallel_loop3A_138 : vector<16xf32>
        tpu.vector_store_idx %arg7[%parallel_loop3A_160], %parallel_loop3A_161 {add = true} : memref<40000xf32, #tpu.memory_space<vmem>>[vector<16xi32>], vector<16xf32>,
        %parallel_loop3A_162 = arith.constant 16 : i32
        %parallel_loop3A_163 = vector.broadcast %parallel_loop3A_162 : i32 to vector<16xi32>
        %parallel_loop3A_164 = arith.shli %parallel_loop3A_146, %parallel_loop3A_163 : vector<16xi32>
        %parallel_loop3A_165 = vector.bitcast %parallel_loop3A_164 : vector<16xi32> to vector<16xf32>
        %parallel_loop3A_166 = vector.broadcast %scan3A_51 : i32 to vector<16xi32>
        %parallel_loop3A_167 = arith.andi %parallel_loop3A_146, %parallel_loop3A_166 : vector<16xi32>
        %parallel_loop3A_168 = vector.bitcast %parallel_loop3A_167 : vector<16xi32> to vector<16xf32>
        %parallel_loop3A_169 = arith.constant 10000 : i32
        %parallel_loop3A_170 = vector.broadcast %parallel_loop3A_169 : i32 to vector<16xi32>
        %parallel_loop3A_171 = arith.addi %parallel_loop3A_136, %parallel_loop3A_170 : vector<16xi32>
        %parallel_loop3A_172 = arith.mulf %parallel_loop3A_165, %parallel_loop3A_138 : vector<16xf32>
        tpu.vector_store_idx %arg7[%parallel_loop3A_171], %parallel_loop3A_172 {add = true} : memref<40000xf32, #tpu.memory_space<vmem>>[vector<16xi32>], vector<16xf32>,
        %parallel_loop3A_173 = arith.constant 30000 : i32
        %parallel_loop3A_174 = vector.broadcast %parallel_loop3A_173 : i32 to vector<16xi32>
        %parallel_loop3A_175 = arith.addi %parallel_loop3A_136, %parallel_loop3A_174 : vector<16xi32>
        %parallel_loop3A_176 = arith.mulf %parallel_loop3A_168, %parallel_loop3A_138 : vector<16xf32>
        tpu.vector_store_idx %arg7[%parallel_loop3A_175], %parallel_loop3A_176 {add = true} : memref<40000xf32, #tpu.memory_space<vmem>>[vector<16xi32>], vector<16xf32>,
      } {sc.loop_unroll_factor = 10 : i64, sc.parallel_access}
    }
    %scan3A_56 = arith.constant 20 : i32
    %mul3A_57 = arith.constant 2 : i32
    %mul3A_58 = arith.muli %add3A, %mul3A_57 : i32
    %mul3A_59 = arith.constant 10000 : i32
    %mul3A_60 = arith.muli %mul3A_58, %mul3A_59 : i32
    %multiple_of3A_61 = tpu.assume_multiple %mul3A_60, 8 : i32
    %mul3A_62 = arith.constant 2 : i32
    %mul3A_63 = arith.muli %add3A, %mul3A_62 : i32
    %add3A_64 = arith.constant 64 : i32
    %add3A_65 = arith.addi %add3A_64, %mul3A_63 : i32
    %mul3A_66 = arith.constant 10000 : i32
    %mul3A_67 = arith.muli %add3A_65, %mul3A_66 : i32
    %multiple_of3A_68 = tpu.assume_multiple %mul3A_67, 8 : i32
    "tpu.region"() ({
      %run_scoped3A = tpu.sem_alloc : memref<!tpu.dma_semaphore, #tpu.memory_space<semaphore_mem>>
      %dma_start3A_69 = arith.constant 0 : i32
      %dma_start3A_70 = tpu.memref_slice %arg7[%dma_start3A_69] : memref<40000xf32, #tpu.memory_space<vmem>> -> memref<20000xf32, #tpu.memory_space<vmem>>
      %dma_start3A_71 = tpu.memref_slice %arg5[%multiple_of3A_61] : memref<1280000xf32, #tpu.memory_space<hbm>> -> memref<20000xf32, #tpu.memory_space<hbm>>
      %dma_start3A_72 = tpu.memref_slice %arg5[%multiple_of3A_61] : memref<1280000xf32, #tpu.memory_space<hbm>> -> memref<20000xf32, #tpu.memory_space<hbm>>
      %dma_start3A_73 = arith.constant 0 : i32
      %dma_start3A_74 = tpu.memref_slice %arg7[%dma_start3A_73] : memref<40000xf32, #tpu.memory_space<vmem>> -> memref<20000xf32, #tpu.memory_space<vmem>>
      tpu.enqueue_dma source(%dma_start3A_74 : memref<20000xf32, #tpu.memory_space<vmem>>) target(%dma_start3A_72 : memref<20000xf32, #tpu.memory_space<hbm>>) target_semaphore(%run_scoped3A : memref<!tpu.dma_semaphore, #tpu.memory_space<semaphore_mem>>)
      %dma_wait3A_75 = arith.constant 0 : i32
      %dma_wait3A_76 = tpu.memref_slice %arg7[%dma_wait3A_75] : memref<40000xf32, #tpu.memory_space<vmem>> -> memref<20000xf32, #tpu.memory_space<vmem>>
      %dma_wait3A_77 = tpu.memref_slice %arg5[%multiple_of3A_61] : memref<1280000xf32, #tpu.memory_space<hbm>> -> memref<20000xf32, #tpu.memory_space<hbm>>
      %dma_wait3A_78 = tpu.memref_slice %arg5[%multiple_of3A_61] : memref<1280000xf32, #tpu.memory_space<hbm>> -> memref<20000xf32, #tpu.memory_space<hbm>>
      %dma_wait3A_79 = arith.constant 0 : i32
      %dma_wait3A_80 = tpu.memref_slice %arg7[%dma_wait3A_79] : memref<40000xf32, #tpu.memory_space<vmem>> -> memref<20000xf32, #tpu.memory_space<vmem>>
      tpu.wait_dma2 semaphore(%run_scoped3A : memref<!tpu.dma_semaphore, #tpu.memory_space<semaphore_mem>>) src(%dma_wait3A_80 : memref<20000xf32, #tpu.memory_space<vmem>>) dst(%dma_wait3A_78 : memref<20000xf32, #tpu.memory_space<hbm>>)
      tpu.yield
    }) : () -> ()
    "tpu.region"() ({
      %run_scoped3A = tpu.sem_alloc : memref<!tpu.dma_semaphore, #tpu.memory_space<semaphore_mem>>
      %dma_start3A_69 = arith.constant 20000 : i32
      %dma_start3A_70 = tpu.memref_slice %arg7[%dma_start3A_69] : memref<40000xf32, #tpu.memory_space<vmem>> -> memref<20000xf32, #tpu.memory_space<vmem>>
      %dma_start3A_71 = tpu.memref_slice %arg5[%multiple_of3A_68] : memref<1280000xf32, #tpu.memory_space<hbm>> -> memref<20000xf32, #tpu.memory_space<hbm>>
      %dma_start3A_72 = tpu.memref_slice %arg5[%multiple_of3A_68] : memref<1280000xf32, #tpu.memory_space<hbm>> -> memref<20000xf32, #tpu.memory_space<hbm>>
      %dma_start3A_73 = arith.constant 20000 : i32
      %dma_start3A_74 = tpu.memref_slice %arg7[%dma_start3A_73] : memref<40000xf32, #tpu.memory_space<vmem>> -> memref<20000xf32, #tpu.memory_space<vmem>>
      tpu.enqueue_dma source(%dma_start3A_74 : memref<20000xf32, #tpu.memory_space<vmem>>) target(%dma_start3A_72 : memref<20000xf32, #tpu.memory_space<hbm>>) target_semaphore(%run_scoped3A : memref<!tpu.dma_semaphore, #tpu.memory_space<semaphore_mem>>)
      %dma_wait3A_75 = arith.constant 20000 : i32
      %dma_wait3A_76 = tpu.memref_slice %arg7[%dma_wait3A_75] : memref<40000xf32, #tpu.memory_space<vmem>> -> memref<20000xf32, #tpu.memory_space<vmem>>
      %dma_wait3A_77 = tpu.memref_slice %arg5[%multiple_of3A_68] : memref<1280000xf32, #tpu.memory_space<hbm>> -> memref<20000xf32, #tpu.memory_space<hbm>>
      %dma_wait3A_78 = tpu.memref_slice %arg5[%multiple_of3A_68] : memref<1280000xf32, #tpu.memory_space<hbm>> -> memref<20000xf32, #tpu.memory_space<hbm>>
      %dma_wait3A_79 = arith.constant 20000 : i32
      %dma_wait3A_80 = tpu.memref_slice %arg7[%dma_wait3A_79] : memref<40000xf32, #tpu.memory_space<vmem>> -> memref<20000xf32, #tpu.memory_space<vmem>>
      tpu.wait_dma2 semaphore(%run_scoped3A : memref<!tpu.dma_semaphore, #tpu.memory_space<semaphore_mem>>) src(%dma_wait3A_80 : memref<20000xf32, #tpu.memory_space<vmem>>) dst(%dma_wait3A_78 : memref<20000xf32, #tpu.memory_space<hbm>>)
      tpu.yield
    }) : () -> ()
    return
  }
}

module attributes {stable_mosaic.version = 14 : i64} {
  func.func @_expmap0_proj_body(%arg0: memref<128x10000xf32, #tpu.memory_space<vmem>>, %arg1: memref<10000x128xf32, #tpu.memory_space<vmem>>) attributes {dimension_semantics = [], scalar_prefetch = 0 : i64, scratch_operands = 0 : i64, tpu.core_type = #tpu.core_type<tc>} {
    %get3A = arith.constant 0 : index
    %get3A_0 = arith.constant 0 : index
    %get3A_1 = vector.load %arg0[%get3A, %get3A_0] : memref<128x10000xf32, #tpu.memory_space<vmem>>, vector<128x10000xf32>
    %transpose3A = tpu.transpose %get3A_1, [1, 0] : vector<128x10000xf32> -> vector<10000x128xf32>
    %mul3A = arith.mulf %transpose3A, %transpose3A : vector<10000x128xf32>
    %reduce_sum3A = arith.constant dense<0.000000e+00> : vector<10000xf32>
    %reduce_sum3A_2 = vector.multi_reduction <add>, %mul3A, %reduce_sum3A [1] : vector<10000x128xf32> to vector<10000xf32>
    %broadcast_in_dim3A = vector.shape_cast %reduce_sum3A_2 : vector<10000xf32> to vector<10000x1xf32>
    %sqrt3A = math.sqrt %broadcast_in_dim3A : vector<10000x1xf32>
    %max3A = arith.constant 1.000000e-15 : f32
    %max3A_3 = vector.broadcast %max3A : f32 to vector<10000x1xf32>
    %max3A_4 = arith.maximumf %sqrt3A, %max3A_3 : vector<10000x1xf32>
    %tanh3A = math.tanh %max3A_4 : vector<10000x1xf32>
    %mul3A_5 = vector.broadcast %tanh3A : vector<10000x1xf32> to vector<10000x128xf32>
    %mul3A_6 = arith.mulf %mul3A_5, %transpose3A : vector<10000x128xf32>
    %div3A = vector.broadcast %max3A_4 : vector<10000x1xf32> to vector<10000x128xf32>
    %div3A_7 = arith.divf %mul3A_6, %div3A : vector<10000x128xf32>
    %mul3A_8 = arith.mulf %div3A_7, %div3A_7 : vector<10000x128xf32>
    %reduce_sum3A_9 = arith.constant dense<0.000000e+00> : vector<10000xf32>
    %reduce_sum3A_10 = vector.multi_reduction <add>, %mul3A_8, %reduce_sum3A_9 [1] : vector<10000x128xf32> to vector<10000xf32>
    %broadcast_in_dim3A_11 = vector.shape_cast %reduce_sum3A_10 : vector<10000xf32> to vector<10000x1xf32>
    %sqrt3A_12 = math.sqrt %broadcast_in_dim3A_11 : vector<10000x1xf32>
    %max3A_13 = arith.constant 1.000000e-15 : f32
    %max3A_14 = vector.broadcast %max3A_13 : f32 to vector<10000x1xf32>
    %max3A_15 = arith.maximumf %sqrt3A_12, %max3A_14 : vector<10000x1xf32>
    %div3A_16 = vector.broadcast %max3A_15 : vector<10000x1xf32> to vector<10000x128xf32>
    %div3A_17 = arith.divf %div3A_7, %div3A_16 : vector<10000x128xf32>
    %mul3A_18 = arith.constant 0.995999991 : f32
    %mul3A_19 = vector.broadcast %mul3A_18 : f32 to vector<10000x128xf32>
    %mul3A_20 = arith.mulf %div3A_17, %mul3A_19 : vector<10000x128xf32>
    %gt3A = arith.constant 0.995999991 : f32
    %gt3A_21 = vector.broadcast %gt3A : f32 to vector<10000x1xf32>
    %gt3A_22 = arith.cmpf ogt, %max3A_15, %gt3A_21 : vector<10000x1xf32>
    %broadcast_in_dim3A_23 = vector.shape_cast %gt3A_22 : vector<10000x1xi1> to vector<10000x1xi1>
    %broadcast_in_dim3A_24 = vector.broadcast %broadcast_in_dim3A_23 : vector<10000x1xi1> to vector<10000x128xi1>
    %select_n3A = arith.select %broadcast_in_dim3A_24, %mul3A_20, %div3A_7 : vector<10000x128xi1>, vector<10000x128xf32>
    %swap3A = arith.constant 0 : index
    %swap3A_25 = arith.constant 0 : index
    %swap3A_26 = vector.load %arg1[%swap3A, %swap3A_25] : memref<10000x128xf32, #tpu.memory_space<vmem>>, vector<10000x128xf32>
    tpu.vector_store %arg1[%swap3A, %swap3A_25], %select_n3A {strides = array<i32>} : memref<10000x128xf32, #tpu.memory_space<vmem>>, vector<10000x128xf32>,
    return
  }
}

module attributes {stable_mosaic.version = 14 : i64} {
  func.func @_logmap0_packed_body(%arg0: memref<10000x128xf32, #tpu.memory_space<vmem>>, %arg1: memref<2x320000xi32, #tpu.memory_space<vmem>>, %arg2: memref<64x10000xi32, #tpu.memory_space<vmem>>, %arg3: memref<320000xi32, #tpu.memory_space<vmem>>) attributes {dimension_semantics = [], scalar_prefetch = 0 : i64, scratch_operands = 0 : i64, tpu.core_type = #tpu.core_type<tc>} {
    %get3A = arith.constant 0 : index
    %get3A_0 = arith.constant 0 : index
    %get3A_1 = vector.load %arg0[%get3A, %get3A_0] : memref<10000x128xf32, #tpu.memory_space<vmem>>, vector<10000x128xf32>
    %mul3A = arith.mulf %get3A_1, %get3A_1 : vector<10000x128xf32>
    %reduce_sum3A = arith.constant dense<0.000000e+00> : vector<10000xf32>
    %reduce_sum3A_2 = vector.multi_reduction <add>, %mul3A, %reduce_sum3A [1] : vector<10000x128xf32> to vector<10000xf32>
    %broadcast_in_dim3A = vector.shape_cast %reduce_sum3A_2 : vector<10000xf32> to vector<10000x1xf32>
    %sqrt3A = math.sqrt %broadcast_in_dim3A : vector<10000x1xf32>
    %max3A = arith.constant 1.000000e-15 : f32
    %max3A_3 = vector.broadcast %max3A : f32 to vector<10000x1xf32>
    %max3A_4 = arith.maximumf %sqrt3A, %max3A_3 : vector<10000x1xf32>
    %jit3A = arith.constant -0.99999988 : f32
    %jit3A_5 = arith.constant 0.99999988 : f32
    %max3A_6 = vector.broadcast %jit3A : f32 to vector<10000x1xf32>
    %max3A_7 = arith.maximumf %max3A_6, %max3A_4 : vector<10000x1xf32>
    %min3A = vector.broadcast %jit3A_5 : f32 to vector<10000x1xf32>
    %min3A_8 = arith.minimumf %min3A, %max3A_7 : vector<10000x1xf32>
    %log1p3A = math.log1p %min3A_8 : vector<10000x1xf32>
    %neg3A = arith.constant 0.000000e+00 : f32
    %neg3A_9 = vector.broadcast %neg3A : f32 to vector<10000x1xf32>
    %neg3A_10 = arith.subf %neg3A_9, %min3A_8 : vector<10000x1xf32>
    %log1p3A_11 = math.log1p %neg3A_10 : vector<10000x1xf32>
    %sub3A = arith.subf %log1p3A, %log1p3A_11 : vector<10000x1xf32>
    %mul3A_12 = arith.constant 5.000000e-01 : f32
    %mul3A_13 = vector.broadcast %mul3A_12 : f32 to vector<10000x1xf32>
    %mul3A_14 = arith.mulf %mul3A_13, %sub3A : vector<10000x1xf32>
    %div3A = arith.divf %mul3A_14, %max3A_4 : vector<10000x1xf32>
    %mul3A_15 = vector.broadcast %div3A : vector<10000x1xf32> to vector<10000x128xf32>
    %mul3A_16 = arith.mulf %get3A_1, %mul3A_15 : vector<10000x128xf32>
    %convert_element_type3A = arith.truncf %mul3A_16 : vector<10000x128xf32> to vector<10000x128xbf16>
    %transpose3A = tpu.transpose %convert_element_type3A, [1, 0] : vector<10000x128xbf16> -> vector<128x10000xbf16>
    %slice3A = vector.extract_strided_slice %transpose3A {offsets = [0, 0], sizes = [64, 10000], strides = [1, 1]} : vector<128x10000xbf16> to vector<64x10000xbf16>
    %bitcast_convert_type3A = tpu.bitcast %slice3A : vector<64x10000xbf16> -> vector<64x10000xi16>
    %convert_element_type3A_17 = arith.extui %bitcast_convert_type3A : vector<64x10000xi16> to vector<64x10000xi32>
    %slice3A_18 = vector.extract_strided_slice %transpose3A {offsets = [64, 0], sizes = [64, 10000], strides = [1, 1]} : vector<128x10000xbf16> to vector<64x10000xbf16>
    %bitcast_convert_type3A_19 = tpu.bitcast %slice3A_18 : vector<64x10000xbf16> -> vector<64x10000xi16>
    %convert_element_type3A_20 = arith.extui %bitcast_convert_type3A_19 : vector<64x10000xi16> to vector<64x10000xi32>
    %shift_left3A = arith.constant 16 : i32
    %shift_left3A_21 = vector.broadcast %shift_left3A : i32 to vector<64x10000xi32>
    %shift_left3A_22 = arith.shli %convert_element_type3A_20, %shift_left3A_21 : vector<64x10000xi32>
    %or3A = arith.ori %convert_element_type3A_17, %shift_left3A_22 : vector<64x10000xi32>
    %swap3A = arith.constant 0 : index
    %swap3A_23 = arith.constant 0 : index
    %swap3A_24 = vector.load %arg2[%swap3A, %swap3A_23] : memref<64x10000xi32, #tpu.memory_space<vmem>>, vector<64x10000xi32>
    tpu.vector_store %arg2[%swap3A, %swap3A_23], %or3A {strides = array<i32>} : memref<64x10000xi32, #tpu.memory_space<vmem>>, vector<64x10000xi32>,
    %get3A_25 = arith.constant 0 : index
    %get3A_26 = arith.constant 0 : index
    %get3A_27 = vector.load %arg1[%get3A_25, %get3A_26] : memref<2x320000xi32, #tpu.memory_space<vmem>>, vector<1x320000xi32>
    %get3A_28 = vector.shape_cast %get3A_27 : vector<1x320000xi32> to vector<320000xi32>
    %get3A_29 = arith.constant 1 : index
    %get3A_30 = arith.constant 0 : index
    %get3A_31 = vector.load %arg1[%get3A_29, %get3A_30] : memref<2x320000xi32, #tpu.memory_space<vmem>>, vector<1x320000xi32>
    %get3A_32 = vector.shape_cast %get3A_31 : vector<1x320000xi32> to vector<320000xi32>
    %mul3A_33 = arith.constant 16384 : i32
    %mul3A_34 = vector.broadcast %mul3A_33 : i32 to vector<320000xi32>
    %mul3A_35 = arith.muli %get3A_32, %mul3A_34 : vector<320000xi32>
    %add3A = arith.addi %get3A_28, %mul3A_35 : vector<320000xi32>
    %swap3A_36 = arith.constant 0 : index
    %swap3A_37 = vector.load %arg3[%swap3A_36] : memref<320000xi32, #tpu.memory_space<vmem>>, vector<320000xi32>
    tpu.vector_store %arg3[%swap3A_36], %add3A {strides = array<i32>} : memref<320000xi32, #tpu.memory_space<vmem>>, vector<320000xi32>,
    return
  }
}

</mosaic_0001>

<sc_bundles>
// kernel: kernel.5.cloned.1.call-start
scs
__scs_entry_jumppad:
0x0: {  	(pc) =	sbr.rel $0x88, $3  }
0x1: {  	(tag) =	ssettag $0x0;
	lr =	simm.s32 $0x1  }
0x2: {  	[smem:$0x3F9E] =	sst lr;
	_ =	strace $0xD0000000  }
0x3: {  	_ = 	snop  }
0x4: {  	_ = 	snop  }
0x5: {  	_ = 	snop  }
0x6: {  	_ = 	snop  }
0x7: {  	_ = 	snop  }
__scs_overlays_trampoline_lowered:
0x8: {  	[smem:$0x3FAD] =	sst s0  }
0x9: {  	[smem:$0x3FAE] =	sst s1  }
0xa: {  	[smem:$0x3FAF] =	sst s2  }
0xb: {  	[smem:$0x3FB0] =	sst s3  }
0xc: {  	[smem:$0x3FB1] =	sst s4  }
0xd: {  	[smem:$0x3FB2] =	sst s5  }
0xe: {  	[smem:$0x3FB3] =	sst s6  }
0xf: {  	[smem:$0x3FB4] =	sst s7  }
0x10: {  	[smem:$0x3FB5] =	sst s8  }
0x11: {  	[smem:$0x3FB6] =	sst s9;
	s0 =	simm.s32 @!p0 $0x0  }
0x12: {  	s1 =	sld [smem:$0x3F9C];
	s0 =	simm.s32 @p0 $0x1  }
0x13: {  	[smem:$0x3FB7] =	sst s0;
	s0 =	simm.s32 @!p1 $0x0  }
0x14: {  	s2 =	sld [smem:$0x3F9B];
	s0 =	simm.s32 @p1 $0x1  }
0x15: {  	[smem:$0x3FB8] =	sst s0;
	s0 =	simm.s32 @!p2 $0x0  }
0x16: {  	s3 =	sld [smem:$0x3FDB];
	s0 =	simm.s32 @p2 $0x1  }
0x17: {  	s4 =	simm.s32 $0x1BF5;
	[smem:$0x3FBA] =	sst s0  }
0x18: {  	s0 =	sld [smem:$0x3F9D];
	_ =	swait.ge [sflag:s4], $0x0  }
0x19: {  	s7 =	sld [smem:$0x3F9E]  }
0x1a: {  	s8 =	sadd.s32 $0xFFFFE003, lr  }
0x1b: {  	s9 =	sadd.s32 $0xFFFFFEF7, lr;
	s5 =	simm.s32 $0xFFFFFFFF;
	p2 =	slt.u32 s8, $0xFFFFF086  }
0x1c: {  	p1 =	slt.u32 s9, $0xF7A;
	s5 =	simm.s32 @!p2 $0x0  }
0x1d: {  	s5 =	simm.s32 @p1 $0x1;
	p0 =	seq.s32 s7, s2  }
0x1e: {  	s7 =	smul.u32 @!p0 $0xF7A, s2;
	p2 =	seq.s32 @!p0 s5, $0x0  }
0x1f: {  	s9 =	smul.u32 $0xF7A, s1;
	s8 =	simm.s32 @!p0 $0x1BF5;
	p2 =	por !p2, p0  }
0x20: {  	[sflag:s8] =	ssyncset.s32 @!p0 $0xFFFFF086;
	s6 =	sadd.s32 @!p0 s3, s7;
	s7 =	simm.s32 @!p0 $0x108  }
0x21: {  	s3 =	sadd.s32 s3, s9;
	s6 =	sadd.s32 @!p0 $0x88, s6;
	s7 =	simm.s32 @p2 $0x1082  }
0x22: {  	[simem:s7], [sflag:s8] =	dma.local @!p0 [hbm:s6], $0xF7A  }
0x23: {  	s9 =	sor.u32 $0xD0000000, s2;
	s6 =	simm.s32 $0x108;
	_ =	swait.ge @!p0 [sflag:s8], $0x0  }
0x24: {  	s3 =	sadd.s32 $0x88, s3;
	s6 =	simm.s32 @!p1 $0x1082;
	[sflag:s4] =	ssyncset.s32 $0xFFFFF086  }
0x25: {  	[simem:s6], [sflag:s4] =	dma.local [hbm:s3], $0xF7A  }
0x26: {  	[smem:$0x3F9E] =	sst s1;
	(tag) =	ssettag s2;
	_ =	strace s9  }
0x27: {  	s1 =	sld [smem:$0x3FAE]  }
0x28: {  	s2 =	sld [smem:$0x3FAF]  }
0x29: {  	s4 =	sld [smem:$0x3FB1]  }
0x2a: {  	p0 =	seq.s32 s5, $0x0;
	s5 =	sld [smem:$0x3FB2]  }
0x2b: {  	s6 =	sld [smem:$0x3FB3]  }
0x2c: {  	s7 =	sld [smem:$0x3FB4]  }
0x2d: {  	s3 =	simm.s32 $0x108;
	s8 =	sld [smem:$0x3FB5]  }
0x2e: {  	s3 =	simm.s32 @!p0 $0x1082;
	s9 =	sld [smem:$0x3FB6]  }
0x2f: {  	lr =	sadd.s32 s0, s3;
	s0 =	sld [smem:$0x3FAD]  }
0x30: {  	s3 =	sld [smem:$0x3FB0]  }
0x31: {  	[smem:$0x3FB9] =	sst s10  }
0x32: {  	s10 =	sld [smem:$0x3FB7];
	_ =	sdelay $0x3  }
0x33: {  	p0 =	seq.s32 s10, $0x1;
	s10 =	sld [smem:$0x3FB9];
	_ =	sdelay $0x3  }
0x34: {  	[smem:$0x3FB9] =	sst s10  }
0x35: {  	s10 =	sld [smem:$0x3FB8];
	_ =	sdelay $0x3  }
0x36: {  	p1 =	seq.s32 s10, $0x1;
	s10 =	sld [smem:$0x3FB9];
	_ =	sdelay $0x3  }
0x37: {  	[smem:$0x3FB9] =	sst s10  }
0x38: {  	s10 =	sld [smem:$0x3FBA]  }
0x39: {  	_ = 	snop;
	(pc) =	sbr.ind lr, $3  }
0x3a: {  	_ = 	snop  }
0x3b: {  	_ = 	snop  }
0x3c: {  	p2 =	seq.s32 s10, $0x1;
	s10 =	sld [smem:$0x3FB9]  }
0x3d: {  	_ =	shalt  }
0x3e: {  	_ =	shalt  }
0x3f: {  	_ =	shalt  }
0x40: {  	_ =	shalt  }
0x41: {  	_ =	shalt  }
0x42: {  	_ =	shalt  }
0x43: {  	_ =	shalt  }
0x44: {  	_ =	shalt  }
0x45: {  	_ =	shalt  }
0x46: {  	_ =	shalt  }
0x47: {  	_ =	shalt  }
0x48: {  	_ =	shalt  }
0x49: {  	_ =	shalt  }
0x4a: {  	_ =	shalt  }
0x4b: {  	_ =	shalt  }
0x4c: {  	_ =	shalt  }
0x4d: {  	_ =	shalt  }
0x4e: {  	_ =	shalt  }
0x4f: {  	_ =	shalt  }
0x50: {  	_ =	shalt  }
0x51: {  	_ =	shalt  }
0x52: {  	_ =	shalt  }
0x53: {  	_ =	shalt  }
0x54: {  	_ =	shalt  }
0x55: {  	_ =	shalt  }
0x56: {  	_ =	shalt  }
0x57: {  	_ =	shalt  }
0x58: {  	_ =	shalt  }
0x59: {  	_ =	shalt  }
0x5a: {  	_ =	shalt  }
0x5b: {  	_ =	shalt  }
0x5c: {  	_ =	shalt  }
0x5d: {  	_ =	shalt  }
0x5e: {  	_ =	shalt  }
0x5f: {  	_ =	shalt  }
0x60: {  	_ =	shalt  }
0x61: {  	_ =	shalt  }
0x62: {  	_ =	shalt  }
0x63: {  	_ =	shalt  }
0x64: {  	_ =	shalt  }
0x65: {  	_ =	shalt  }
0x66: {  	_ =	shalt  }
0x67: {  	_ =	shalt  }
0x68: {  	_ =	shalt  }
0x69: {  	_ =	shalt  }
0x6a: {  	_ =	shalt  }
0x6b: {  	_ =	shalt  }
0x6c: {  	_ =	shalt  }
0x6d: {  	_ =	shalt  }
0x6e: {  	_ =	shalt  }
0x6f: {  	_ =	shalt  }
0x70: {  	_ =	shalt  }
0x71: {  	_ =	shalt  }
0x72: {  	_ =	shalt  }
0x73: {  	_ =	shalt  }
0x74: {  	_ =	shalt  }
0x75: {  	_ =	shalt  }
0x76: {  	_ =	shalt  }
0x77: {  	_ =	shalt  }
0x78: {  	_ =	shalt  }
0x79: {  	_ =	shalt  }
0x7a: {  	_ =	shalt  }
0x7b: {  	_ =	shalt  }
0x7c: {  	_ =	shalt  }
0x7d: {  	_ =	shalt  }
0x7e: {  	_ =	shalt  }
0x7f: {  	_ =	shalt  }
0x80: {  	_ =	shalt  }
0x81: {  	_ =	shalt  }
0x82: {  	_ =	shalt  }
0x83: {  	_ =	shalt  }
0x84: {  	_ =	shalt  }
0x85: {  	_ =	shalt  }
0x86: {  	_ =	shalt  }
0x87: {  	_ =	shalt  }
.Lfunc_end0:
.L_simem_size_0:
called_computation_lowered:
.L_overlay_start_0:
0x88: {  	s2 =	sld [smem:$0x3FD9]  }
0x89: {  	s3 =	sld [smem:$0x3FFE];
	_ =	sdelay $0x1  }
0x8a: {  	s1 =	srdreg.scid  }
0x8b: {  	s0 =	sand.u32 $0x1, s1  }
0x8c: {  	s17 =	sshll.u32 s0, $0xA;
	s2 =	sadd.s32 s3, s2  }
0x8d: {  	s2 =	sadd.s32 s2, s17  }
0x8e: {  	[smem:$0x3FC5] =	sst s2  }
0x8f: {  	_ = 	snop  }
0x90: {  	s2 =	sld [smem:$0x3FC7]  }
0x91: {  	s18 =	sld [smem:$0x3FD0];
	(tm) =	ssettm $0x1  }
0x92: {  	s4 =	sld [smem:$0x3FFB];
	_ =	sdelay $0x3  }
0x93: {  	_ =	strace s4  }
0x94: {  	s4 =	sld [smem:$0x3FFC];
	_ =	sdelay $0x3  }
0x95: {  	_ =	strace s4  }
0x96: {  	s4 =	sld [smem:$0x3FFD];
	_ =	sdelay $0x3  }
0x97: {  	_ =	strace s4  }
0x98: {  	_ =	strace $0x8FFFFFFF  }
0x99: {  	s19 =	sld [smem:$0x3FDB];
	_ =	sdelay $0x1  }
0x9a: {  	s5 =	simm.s32 $_scs_section_size  }
0x9b: {  	s6 =	simm.s32 $_size__tile_overlayer_lowered;
	s7 =	simm.s32 $_tile_overlayer_lowered  }
0x9c: {  	s22 =	simm.s32 $0x1BFF;
	s21 =	sshll.u32 s7, $0x1;
	s4 =	sadd.s32 s5, s19  }
0x9d: {  	s8 =	simm.s32 $0x0;
	s20 =	sshll.u32 s6, $0x1;
	s6 =	sadd.s32 s21, s4  }
0x9e: {  	[timem:s8], [sflag:s22] =	dma.local [hbm:s6], s20  }
0x9f: {  	_ =	swait.ge [sflag:s22], s20  }
0xa0: {  	s5 =	ssub.s32 $0x0, s20;
	[sflag:s22] =	ssyncset.done $0x0  }
0xa1: {  	[sflag:s22] =	ssyncadd.s32 s5;
	_ =	sdelay $0x1  }
0xa2: {  	s23 =	simm.s32 $0x1B8B  }
0xa3: {  	_ =	swait.ge [sflag:s23], $0x1  }
0xa4: {  	[sflag:s23] =	ssyncset.done $0x0  }
0xa5: {  	s25 =	simm.s32 $0x1B8E;
	s24 =	sld [smem:$0x3FFE];
	[sflag:s23] =	ssyncadd.s32 $0xFFFFFFFF  }
0xa6: {  	s26 =	simm.s32 $execute0_lowered;
	[smem:$0x3FD2] =	sst s25  }
0xa7: {  	s6 =	sshll.u32 s26, $0x1;
	_ =	strace $0x80000046;
	[dreg:$0x1] =	wrdreg $0xFFFFFFFF  }
0xa8: {  	s28 =	simm.s32 $_size_execute0_lowered;
	s4 =	sadd.s32 s4, s6;
	[dreg:$0x0] =	wrdreg $0x0  }
0xa9: {  	s6 =	sshll.u32 s28, $0x1;
	[dreg:$0x2] =	wrdreg s4  }
0xaa: {  	[dreg:$0x3] =	wrdreg s6  }
0xab: {  	[dreg:$0x4] =	wrdreg $0xC0  }
0xac: {  	_ =	task [dreg:s8], $0x5FFFF  }
0xad: {  	[dreg:$0x1] =	wrdreg $0xFFFFFFFF  }
0xae: {  	[dreg:$0x0] =	wrdreg $0x60  }
0xaf: {  	[dreg:$0x2] =	wrdreg s24  }
0xb0: {  	[dreg:$0x3] =	wrdreg s2  }
0xb1: {  	[dreg:$0x4] =	wrdreg s18  }
0xb2: {  	[dreg:$0x5] =	wrdreg $0x9  }
0xb3: {  	_ =	task.clear_ibuf [dreg:s8], $0x6FFFF;
	_ =	strace $0x90000046  }
0xb4: {  	s29 =	simm.s32 $0x9;
	_ =	strace $0x80000048  }
0xb5: {  	_ =	swait.ge [sflag:s29], $0x1  }
0xb6: {  	[sflag:s29] =	ssyncadd.s32 $0xFFFFFFFF  }
0xb7: {  	_ =	strace $0x90000048  }
0xb8: {  	_ =	sfence  }
0xb9: {  	s30 =	sld [smem:$0x0];
	_ =	sdelay $0x2  }
0xba: {  	s31 =	sshll.u32 s1, $0xD;
	s1 =	sshrl.u32 s1, $0x2  }
0xbb: {  	s3 =	sand.u32 $0x4000, s31;
	s1 =	sadd.s32 s1, s30  }
0xbc: {  	s0 =	sor.u32 s3, s0;
	s1 =	sshll.u32 s1, $0x11  }
0xbd: {  	s0 =	sor.u32 s1, s0  }
0xbe: {  	s0 =	sadd.s32 $0x8F2B, s0  }
0xbf: {  	[sflag:s0] =	ssyncadd.remote.s32 $0x1  }
0xc0: {  	_ =	sfence.sel $0xFFFF  }
0xc1: {  	[dreg:$0x0] =	wrdreg $0xFFFFFFFF;
	(pc) =	sbr.abs _section_cstart, $3  }
0xc2: {  	[dreg:$0x1] =	wrdreg $0xFFFFFFFF  }
0xc3: {  	_ =	task.clear_ibuf [dreg:s8], $0x2FFFF;
	_ =	strace $0x9FFFFFFF  }
0xc4: {  	(tm) =	ssettm $0x7FFFFFFF  }
0xc5: {  	_ =	shalt  }
tec
execute0_lowered:
.L_overlay_start_1:
0x0: {  	(tag) =	ssettag $0x1  }
0x1: {  	s4 =	rddreg [dreg:$0x0]  }
0x2: {  	s1 =	srdreg.scid;
	s2 =	rddreg [dreg:$0x1]  }
0x3: {  	s0 =	stileid.u32;
	s6 =	rddreg [dreg:$0x2];
	s3 =	simm.s32 $0x0  }
0x4: {  	s11 =	simm.s32 $0x3;
	s12 =	simm.s32 $0x1;
	s13 =	simm.s32 $0x10A80  }
0x5: {  	s14 =	simm.s32 $0x14980;
	s5 =	sand.u32 $0x1, s1;
	s31 =	sshll.u32 s0, $0x1  }
0x6: {  	s15 =	simm.s32 $0x4E80;
	s16 =	simm.s32 $0x2;
	s7 =	sor.u32 s5, s31  }
0x7: {  	s17 =	simm.s32 $0x4;
	s18 =	simm.s32 $0x9CA0;
	s8 =	smul.u32 $0x9C4, s7  }
0x8: {  	s1 =	rddreg [dreg:$0x3];
	s5 =	ssub.s32 $0x2, s5;
	s7 =	smul.u32 $0x4E20, s7  }
0x9: {  	s19 =	simm.s32 $0x0;
	[smem:$0x7FF] =	sst s3;
	s10 =	sshrl.u32 s5, $0x1  }
0xa: {  	_ =	strace $0x80000047;
	s10 =	ssub.s32 s5, s10;
	s7 =	sshrl.u32 s7, $0x3  }
0xb: {  	s9 =	sadd.s32 s8, s4;
	s4 =	sadd.s32 $0xC00, s4;
	s7 =	sadd.s32 s6, s7  }
0xc: {  	s5 =	sadd.s32 $0xAA00, s9;
	s6 =	sadd.s32 s6, s8;
	s8 =	smax.u32 s10, $0x1  }
0xd: {  	v0 =	vimm.f32 $0.0e+00;
	s9 =	simm.s32 $0xEB00;
	s10 =	simm.s32 $0x12A00;
	s7 =	sadd.s32 $0x13880, s7  }
.LBB2_1:
0xe: {  	[tilespmem:s3], [sflag:$0x3] =	stream.linear.gather [hbm4b:s5+s3], $0x4E20, $0x38;
	[tilespmem:$0x16900] =	vst v63  }
0xf: {  	_ = 	snop  }
0x10: {  	[tilespmem:s9], [sflag:$0x1] =	stream.linear.gather [hbm4b:s4+s3], $0x1F40, $0x38;
	[tilespmem:$0x16900] =	vst v63  }
0x11: {  	s20 =	simm.s32 $0x4EC0  }
0x12: {  	[tilespmem:s10], [sflag:$0x1] =	stream.linear.gather [hbm4b:s2+s3], $0x1F40, $0x38;
	[tilespmem:$0x16900] =	vst v63  }
0x13: {  	[tilespmem:s20+$0xFFFFFFC0] =	vst v0  }
0x14: {  	[tilespmem:s20+$0x30] =	vst v0  }
0x15: {  	[tilespmem:s20+$0x20] =	vst v0  }
0x16: {  	[tilespmem:s20+$0x10] =	vst v0  }
0x17: {  	[tilespmem:s20+$0x0] =	vst v0  }
0x18: {  	[tilespmem:s20+$0xFFFFFFF0] =	vst v0  }
0x19: {  	s21 =	simm.s32 $0x0;
	[tilespmem:s20+$0xFFFFFFE0] =	vst v0  }
.LBB2_2:
0x1a: {  	s21 =	sadd.s32 $0x8, s21;
	[tilespmem:s20+$0xFFFFFFD0] =	vst v0;
	s20 =	sadd.s32 $0x80, s20  }
0x1b: {  	[tilespmem:s20+$0xFFFFFFC0] =	vst v0;
	p0 =	slt.u32 s21, $0x9B8  }
0x1c: {  	[tilespmem:s20+$0x30] =	vst v0  }
.Ltmp0:
0x1d: {  	[tilespmem:s20+$0x20] =	vst v0;
	(pc) =	sbr.rel @p0 .LBB2_2-.Ltmp0, $4  }
0x1e: {  	[tilespmem:s20+$0x10] =	vst v0  }
0x1f: {  	[tilespmem:s20+$0x0] =	vst v0  }
0x20: {  	[tilespmem:s20+$0xFFFFFFF0] =	vst v0  }
0x21: {  	[tilespmem:s20+$0xFFFFFFE0] =	vst v0  }
0x22: {  	[tilespmem:s20+$0xFFFFFFD0] =	vst v0  }
0x23: {  	[tilespmem:$0xEA80] =	vst v0  }
0x24: {  	[tilespmem:$0xEA90] =	vst v0  }
0x25: {  	[tilespmem:$0xEAA0] =	vst v0  }
0x26: {  	[tilespmem:$0xEAB0] =	vst v0  }
0x27: {  	_ =	swait.ge [sflag:s11], $0x4E20  }
0x28: {  	[sflag:s11] =	ssyncset.done $0x0  }
0x29: {  	s20 =	simm.s32 $0x0;
	s21 =	simm.s32 $0x0;
	[sflag:s11] =	ssyncadd.s32 $0xFFFFB1E0  }
.LBB2_4:
0x2a: {  	_ =	swait.ge [sflag:s12], $0x1F40  }
0x2b: {  	s22 =	smul.u32 $0x3E80, s21;
	[sflag:s12] =	ssyncset.done $0x0  }
0x2c: {  	[sflag:s12] =	ssyncadd.s32 $0xFFFFE0C0  }
0x2d: {  	s23 =	sshrl.u32 s22, $0x3;
	_ =	swait.ge [sflag:s12], $0x1F40  }
0x2e: {  	s23 =	sadd.s32 $0x3E8, s23;
	[sflag:s12] =	ssyncset.done $0x0  }
0x2f: {  	s24 =	sadd.s32 s4, s23;
	[sflag:s12] =	ssyncadd.s32 $0xFFFFE0C0  }
0x30: {  	[tilespmem:s13], [sflag:$0x2] =	stream.linear.gather [hbm4b:s24+s20], $0x1F40, $0x38;
	[tilespmem:$0x16900] =	vst v63  }
0x31: {  	s30 =	sand.u32 $0x1FE0, s20;
	s23 =	sadd.s32 s2, s23  }
0x32: {  	[tilespmem:s14], [sflag:$0x2] =	stream.linear.gather [hbm4b:s23+s20], $0x1F40, $0x38;
	[tilespmem:$0x16900] =	vst v63  }
0x33: {  	s31 =	simm.s32 $0x12A50;
	v9 =	vld [tilespmem:s30+$0xEB80]  }
0x34: {  	v2 =	vld [tilespmem:s31+$0xFFFFFFC0]  }
0x35: {  	v1 =	vld [tilespmem:s31+$0xFFFFFFD0]  }
0x36: {  	v3 =	vld [tilespmem:s31+$0xFFFFFFE0]  }
0x37: {  	v6 =	vld [tilespmem:s31+$0x20]  }
0x38: {  	v8 =	vld [tilespmem:s31+$0x0]  }
0x39: {  	v7 =	vld [tilespmem:s31+$0x10]  }
0x3a: {  	v34 =	vld [tilespmem:s31+$0xFFFFFFB0]  }
0x3b: {  	s23 =	simm.s32 $0xEB50;
	v14 =	vld [tilespmem:s30+$0x12A80]  }
0x3c: {  	v15 =	vld [tilespmem:s23+$0xFFFFFFB0]  }
0x3d: {  	v17 =	vld [tilespmem:s23+$0x20]  }
0x3e: {  	v16 =	vld [tilespmem:s23+$0x40]  }
0x3f: {  	v20 =	vld [tilespmem:s23+$0x0];
	v4 =	vand.u32 $0x3FFF, v9  }
0x40: {  	v18 =	vld [tilespmem:s23+$0x10]  }
0x41: {  	v23 =	vld [tilespmem:s23+$0xFFFFFFF0];
	v21 =	vand.u32 $0x3FFF, v15  }
0x42: {  	v11 =	vld [tilespmem:s23+$0xFFFFFFE0];
	v30 =	vand.u32 $0x3FFF, v17  }
0x43: {  	v13 =	vld [tilespmem:s23+$0xFFFFFFD0];
	v5 =	vadd.s32 $0x2710, v4  }
0x44: {  	v37 =	vand.u32 $0x3FFF, v20;
	v10 =	vld.idx.msk [tilespmem:v4+s3+$0x0], $0xffff  }
0x45: {  	v4 =	vld [tilespmem:s31+$0x40]  }
0x46: {  	v35 =	vadd.s32 $0x2710, v30;
	v31 =	vld.idx.msk [tilespmem:v21+s3+$0x0], $0xffff  }
0x47: {  	v19 =	vshrl.u32 v9, $0xE;
	v30 =	vld.idx.msk [tilespmem:v30+s3+$0x0], $0xffff  }
0x48: {  	v26 =	vand.u32 $0x3FFF, v16;
	v32 =	vand.u32 $0x3FFF, v18;
	v41 =	vand.u32 $0x3FFF, v11;
	v12 =	vld.idx.msk [tilespmem:v5+s3+$0x0], $0xffff  }
0x49: {  	v38 =	vshrl.u32 v15, $0xE;
	v22 =	vadd.s32 $0x4E20, v19;
	v24 =	vadd.s32 $0x2710, v19;
	v50 =	vld.idx.msk [tilespmem:v37+s3+$0x0], $0xffff  }
0x4a: {  	v28 =	vadd.s32 $0x7530, v19;
	v40 =	vadd.s32 $0x2710, v37;
	v5 =	vld [tilespmem:s31+$0xFFFFFFF0];
	v9 =	vshll.u32 v10, $0x10  }
0x4b: {  	v45 =	vadd.s32 $0x2710, v41;
	v33 =	vadd.s32 $0x7530, v38;
	v35 =	vld.idx.msk [tilespmem:v35+s3+$0x0], $0xffff;
	v25 =	vmul.f32 v9, v14  }
0x4c: {  	v44 =	vadd.s32 $0x4E20, v38;
	v46 =	vadd.s32 $0x2710, v38;
	v10 =	vand.u32 $0xFFFF0000, v10;
	v9 =	vld [tilespmem:s23+$0xFFFFFFC0]  }
0x4d: {  	v15 =	vshll.u32 v31, $0x10;
	v27 =	vshll.u32 v12, $0x10;
	v10 =	vmul.f32 v10, v14;
	[tilespmem:v19+s15+$0x0] =	vst.idx.add.f32.msk $0xffff, v25  }
0x4e: {  	v25 =	vadd.s32 $0x2710, v21;
	v19 =	vmul.f32 v27, v14;
	v21 =	vadd.s32 $0x2710, v26;
	v26 =	vld.idx.msk [tilespmem:v26+s3+$0x0], $0xffff  }
0x4f: {  	v27 =	vshrl.u32 v18, $0xE;
	v18 =	vand.u32 $0xFFFF0000, v31;
	[tilespmem:v22+s15+$0x0] =	vst.idx.add.f32.msk $0xffff, v10;
	v10 =	vand.u32 $0xFFFF0000, v12  }
0x50: {  	v31 =	vld.idx.msk [tilespmem:v32+s3+$0x0], $0xffff;
	v22 =	vand.u32 $0x3FFF, v13;
	v12 =	vshrl.u32 v20, $0xE;
	v20 =	vshrl.u32 v17, $0xE  }
0x51: {  	v39 =	vmul.f32 v18, v34;
	[tilespmem:v24+s15+$0x0] =	vst.idx.add.f32.msk $0xffff, v19;
	v10 =	vmul.f32 v10, v14;
	v14 =	vadd.s32 $0x2710, v32  }
0x52: {  	v37 =	vadd.s32 $0x4E20, v27;
	v24 =	vand.u32 $0x3FFF, v23;
	v29 =	vadd.s32 $0x2710, v22;
	v32 =	vld.idx.msk [tilespmem:v41+s3+$0x0], $0xffff  }
0x53: {  	[tilespmem:v28+s15+$0x0] =	vst.idx.add.f32.msk $0xffff, v10;
	v10 =	vshrl.u32 v16, $0xE;
	v16 =	vshrl.u32 v23, $0xE;
	v23 =	vmul.f32 v15, v34  }
0x54: {  	v18 =	vadd.s32 $0x4E20, v12;
	v17 =	vadd.s32 $0x4E20, v20;
	v19 =	vand.u32 $0x3FFF, v9;
	v25 =	vld.idx.msk [tilespmem:v25+s3+$0x0], $0xffff  }
0x55: {  	v41 =	vshll.u32 v50, $0x10;
	v43 =	vadd.s32 $0x2710, v24;
	v47 =	vadd.s32 $0x2710, v19;
	[tilespmem:v38+s15+$0x0] =	vst.idx.add.f32.msk $0xffff, v23  }
0x56: {  	v15 =	vadd.s32 $0x7530, v27;
	v28 =	vadd.s32 $0x2710, v27;
	v48 =	vshll.u32 v26, $0x10;
	v51 =	vld.idx.msk [tilespmem:v14+s3+$0x0], $0xffff  }
0x57: {  	v52 =	vand.u32 $0xFFFF0000, v26;
	v36 =	vadd.s32 $0x4E20, v10;
	v42 =	vshll.u32 v31, $0x10;
	v53 =	vld.idx.msk [tilespmem:v24+s3+$0x0], $0xffff  }
0x58: {  	v26 =	vand.u32 $0xFFFF0000, v30;
	v38 =	vshll.u32 v30, $0x10;
	v23 =	vld.idx.msk [tilespmem:v40+s3+$0x0], $0xffff;
	v40 =	vand.u32 $0xFFFF0000, v31  }
0x59: {  	v21 =	vld.idx.msk [tilespmem:v21+s3+$0x0], $0xffff;
	v55 =	vmul.f32 v48, v4;
	v14 =	vadd.s32 $0x7530, v10;
	v24 =	vand.u32 $0xFFFF0000, v35  }
0x5a: {  	v30 =	vld.idx.msk [tilespmem:v43+s3+$0x0], $0xffff;
	v43 =	vand.u32 $0xFFFF0000, v50;
	v49 =	vshll.u32 v25, $0x10;
	v54 =	vand.u32 $0xFFFF0000, v25  }
0x5b: {  	v31 =	vld.idx.msk [tilespmem:v47+s3+$0x0], $0xffff;
	v25 =	vshll.u32 v35, $0x10;
	v49 =	vmul.f32 v49, v34;
	v50 =	vmul.f32 v54, v34  }
0x5c: {  	[tilespmem:v10+s15+$0x0] =	vst.idx.add.f32.msk $0xffff, v55;
	v48 =	vshll.u32 v51, $0x10;
	v63 =	vshll.u32 v53, $0x10;
	v47 =	vand.u32 $0xFFFF0000, v53  }
0x5d: {  	s25 =	simm.s32 $0x12AF0;
	s26 =	simm.s32 $0xA0;
	s24 =	simm.s32 $0x0;
	v35 =	vld.idx.msk [tilespmem:v45+s3+$0x0], $0xffff;
	v34 =	vand.u32 $0xFFFF0000, v51;
	v51 =	vmul.f32 v52, v4;
	v45 =	vmul.f32 v63, v5  }
.LBB2_5:
0x5e: {  	s28 =	sand.u32 $0x1FE0, s26;
	s24 =	sadd.s32 $0xA, s24;
	[tilespmem:v44+s15+$0x0] =	vst.idx.add.f32.msk $0xffff, v39;
	v39 =	vshll.u32 v21, $0x10;
	v21 =	vand.u32 $0xFFFF0000, v21;
	s23 =	sadd.s32 $0xA0, s23  }
0x5f: {  	v44 =	vand.u32 $0xFFFF0000, v32;
	p0 =	slt.u32 s24, $0x1EA;
	v29 =	vld.idx.msk [tilespmem:v29+s3+$0x0], $0xffff  }
0x60: {  	v48 =	vmul.f32 v48, v7;
	[tilespmem:v46+s15+$0x0] =	vst.idx.add.f32.msk $0xffff, v49;
	v46 =	vshll.u32 v31, $0x10;
	v31 =	vand.u32 $0xFFFF0000, v31  }
0x61: {  	v49 =	vshll.u32 v30, $0x10;
	[tilespmem:v33+s15+$0x0] =	vst.idx.add.f32.msk $0xffff, v50;
	v33 =	vadd.s32 $0x4E20, v16;
	v50 =	vadd.s32 $0x2710, v20  }
0x62: {  	v42 =	vmul.f32 v42, v7;
	v52 =	vshll.u32 v35, $0x10;
	v35 =	vand.u32 $0xFFFF0000, v35;
	[tilespmem:v36+s15+$0x0] =	vst.idx.add.f32.msk $0xffff, v51  }
0x63: {  	v40 =	vmul.f32 v40, v7;
	v36 =	vmul.f32 v46, v2;
	v46 =	vadd.s32 $0x7530, v20;
	v22 =	vld.idx.msk [tilespmem:v22+s3+$0x0], $0xffff  }
0x64: {  	v47 =	vmul.f32 v47, v5;
	v31 =	vmul.f32 v31, v2;
	[tilespmem:v27+s15+$0x0] =	vst.idx.add.f32.msk $0xffff, v42  }
0x65: {  	v43 =	vmul.f32 v43, v8;
	v38 =	vmul.f32 v38, v6;
	v42 =	vadd.s32 $0x2710, v16;
	v27 =	vld.idx.msk [tilespmem:v19+s3+$0x0], $0xffff  }
0x66: {  	v11 =	vshrl.u32 v11, $0xE;
	v53 =	vadd.s32 $0x2710, v12;
	v51 =	vand.u32 $0xFFFF0000, v23;
	v19 =	vld [tilespmem:s28+$0xEB80]  }
0x67: {  	v13 =	vshrl.u32 v13, $0xE;
	v41 =	vmul.f32 v41, v8;
	v54 =	vadd.s32 $0x4E20, v11;
	[tilespmem:v20+s15+$0x0] =	vst.idx.add.f32.msk $0xffff, v38  }
0x68: {  	v23 =	vshll.u32 v23, $0x10;
	v20 =	vshll.u32 v32, $0x10;
	[tilespmem:v16+s15+$0x0] =	vst.idx.add.f32.msk $0xffff, v45;
	v16 =	vadd.s32 $0x7530, v16  }
0x69: {  	v23 =	vmul.f32 v23, v8;
	v32 =	vadd.s32 $0x4E20, v13;
	v38 =	vadd.s32 $0x2710, v11;
	[tilespmem:v37+s15+$0x0] =	vst.idx.add.f32.msk $0xffff, v40  }
0x6a: {  	v8 =	vmul.f32 v51, v8;
	v37 =	vshll.u32 v22, $0x10;
	v40 =	vshll.u32 v29, $0x10;
	[tilespmem:v28+s15+$0x0] =	vst.idx.add.f32.msk $0xffff, v48  }
0x6b: {  	v30 =	vand.u32 $0xFFFF0000, v30;
	v28 =	vand.u32 $0xFFFF0000, v29;
	v29 =	vmul.f32 v44, v3;
	[tilespmem:v12+s15+$0x0] =	vst.idx.add.f32.msk $0xffff, v41  }
0x6c: {  	v37 =	vmul.f32 v37, v1;
	v44 =	vadd.s32 $0x7530, v11;
	v41 =	vmul.f32 v52, v3;
	[tilespmem:v18+s15+$0x0] =	vst.idx.add.f32.msk $0xffff, v43  }
0x6d: {  	v26 =	vmul.f32 v26, v6;
	v18 =	vshll.u32 v27, $0x10;
	v27 =	vand.u32 $0xFFFF0000, v27;
	[tilespmem:v33+s15+$0x0] =	vst.idx.add.f32.msk $0xffff, v47  }
0x6e: {  	v25 =	vmul.f32 v25, v6;
	[tilespmem:v13+s15+$0x0] =	vst.idx.add.f32.msk $0xffff, v37  }
0x6f: {  	v7 =	vmul.f32 v34, v7;
	v33 =	vmul.f32 v35, v3;
	[tilespmem:v17+s15+$0x0] =	vst.idx.add.f32.msk $0xffff, v26  }
0x70: {  	v6 =	vmul.f32 v24, v6;
	v17 =	vmul.f32 v49, v5;
	[tilespmem:v50+s15+$0x0] =	vst.idx.add.f32.msk $0xffff, v25  }
0x71: {  	v24 =	vadd.s32 $0x2710, v13;
	v3 =	vmul.f32 v20, v3;
	v5 =	vmul.f32 v30, v5;
	[tilespmem:v53+s15+$0x0] =	vst.idx.add.f32.msk $0xffff, v23  }
0x72: {  	v13 =	vadd.s32 $0x7530, v13;
	[tilespmem:v46+s15+$0x0] =	vst.idx.add.f32.msk $0xffff, v6  }
0x73: {  	v6 =	vadd.s32 $0x7530, v12;
	[tilespmem:v15+s15+$0x0] =	vst.idx.add.f32.msk $0xffff, v7  }
0x74: {  	v7 =	vand.u32 $0xFFFF0000, v22;
	[tilespmem:v11+s15+$0x0] =	vst.idx.add.f32.msk $0xffff, v3  }
0x75: {  	v3 =	vmul.f32 v7, v1;
	v7 =	vadd.s32 $0x2710, v10;
	[tilespmem:v54+s15+$0x0] =	vst.idx.add.f32.msk $0xffff, v29  }
0x76: {  	[tilespmem:v42+s15+$0x0] =	vst.idx.add.f32.msk $0xffff, v17  }
0x77: {  	v9 =	vshrl.u32 v9, $0xE;
	[tilespmem:v16+s15+$0x0] =	vst.idx.add.f32.msk $0xffff, v5  }
0x78: {  	v5 =	vadd.s32 $0x4E20, v9;
	[tilespmem:v6+s15+$0x0] =	vst.idx.add.f32.msk $0xffff, v8;
	v6 =	vmul.f32 v39, v4  }
0x79: {  	v8 =	vmul.f32 v18, v2;
	[tilespmem:v32+s15+$0x0] =	vst.idx.add.f32.msk $0xffff, v3;
	v3 =	vmul.f32 v21, v4  }
0x7a: {  	v2 =	vmul.f32 v27, v2;
	[tilespmem:v7+s15+$0x0] =	vst.idx.add.f32.msk $0xffff, v6  }
0x7b: {  	v4 =	vmul.f32 v40, v1;
	[tilespmem:v14+s15+$0x0] =	vst.idx.add.f32.msk $0xffff, v3  }
0x7c: {  	v1 =	vmul.f32 v28, v1;
	v3 =	vadd.s32 $0x2710, v9;
	[tilespmem:v9+s15+$0x0] =	vst.idx.add.f32.msk $0xffff, v8  }
0x7d: {  	[tilespmem:v5+s15+$0x0] =	vst.idx.add.f32.msk $0xffff, v2;
	v2 =	vadd.s32 $0x7530, v9  }
0x7e: {  	[tilespmem:v38+s15+$0x0] =	vst.idx.add.f32.msk $0xffff, v41  }
0x7f: {  	[tilespmem:v44+s15+$0x0] =	vst.idx.add.f32.msk $0xffff, v33  }
0x80: {  	[tilespmem:v24+s15+$0x0] =	vst.idx.add.f32.msk $0xffff, v4  }
0x81: {  	[tilespmem:v3+s15+$0x0] =	vst.idx.add.f32.msk $0xffff, v36  }
0x82: {  	[tilespmem:v2+s15+$0x0] =	vst.idx.add.f32.msk $0xffff, v31  }
0x83: {  	[tilespmem:v13+s15+$0x0] =	vst.idx.add.f32.msk $0xffff, v1  }
0x84: {  	v2 =	vld [tilespmem:s25+$0xFFFFFFC0]  }
0x85: {  	v4 =	vand.u32 $0x3FFF, v19;
	v1 =	vld [tilespmem:s25+$0xFFFFFFD0]  }
0x86: {  	v5 =	vadd.s32 $0x2710, v4;
	v3 =	vld [tilespmem:s25+$0xFFFFFFE0]  }
0x87: {  	v6 =	vld [tilespmem:s25+$0x20]  }
0x88: {  	v8 =	vld [tilespmem:s25+$0x0]  }
0x89: {  	v7 =	vld [tilespmem:s25+$0x10]  }
0x8a: {  	v9 =	vld.idx.msk [tilespmem:v4+s3+$0x0], $0xffff  }
0x8b: {  	v10 =	vld.idx.msk [tilespmem:v5+s3+$0x0], $0xffff  }
0x8c: {  	v5 =	vld [tilespmem:s25+$0xFFFFFFF0]  }
0x8d: {  	v4 =	vld [tilespmem:s25+$0x40]  }
0x8e: {  	v34 =	vld [tilespmem:s25+$0xFFFFFFB0]  }
0x8f: {  	v12 =	vld [tilespmem:s28+$0x12A80]  }
0x90: {  	v15 =	vshll.u32 v9, $0x10;
	v16 =	vand.u32 $0xFFFF0000, v9;
	v14 =	vld [tilespmem:s23+$0xFFFFFFB0]  }
0x91: {  	v17 =	vshll.u32 v10, $0x10;
	v18 =	vld [tilespmem:s23+$0x40]  }
0x92: {  	v20 =	vld [tilespmem:s23+$0x20]  }
0x93: {  	v21 =	vld [tilespmem:s23+$0x10]  }
0x94: {  	v19 =	vshrl.u32 v19, $0xE;
	v23 =	vld [tilespmem:s23+$0x0]  }
0x95: {  	v25 =	vadd.s32 $0x4E20, v19;
	v22 =	vand.u32 $0x3FFF, v14;
	v24 =	vld [tilespmem:s23+$0xFFFFFFF0]  }
0x96: {  	v27 =	vadd.s32 $0x2710, v19;
	v26 =	vadd.s32 $0x2710, v22;
	v11 =	vld [tilespmem:s23+$0xFFFFFFE0];
	v28 =	vand.u32 $0x3FFF, v18  }
0x97: {  	v15 =	vmul.f32 v15, v12;
	v13 =	vld [tilespmem:s23+$0xFFFFFFD0];
	v30 =	vand.u32 $0x3FFF, v20;
	v31 =	vadd.s32 $0x2710, v28  }
0x98: {  	v33 =	vadd.s32 $0x7530, v19;
	v9 =	vld [tilespmem:s23+$0xFFFFFFC0];
	v32 =	vand.u32 $0x3FFF, v21;
	v35 =	vadd.s32 $0x2710, v30  }
0x99: {  	v37 =	vand.u32 $0x3FFF, v23;
	v36 =	vadd.s32 $0x2710, v32;
	[tilespmem:v19+s15+$0x0] =	vst.idx.add.f32.msk $0xffff, v15;
	v15 =	vmul.f32 v16, v12  }
0x9a: {  	v16 =	vmul.f32 v17, v12;
	v38 =	vld.idx.msk [tilespmem:v22+s3+$0x0], $0xffff;
	v40 =	vand.u32 $0x3FFF, v24;
	v41 =	vadd.s32 $0x2710, v37  }
0x9b: {  	v10 =	vand.u32 $0xFFFF0000, v10;
	v43 =	vand.u32 $0x3FFF, v11;
	v45 =	vadd.s32 $0x2710, v40;
	[tilespmem:v25+s15+$0x0] =	vst.idx.add.f32.msk $0xffff, v15  }
0x9c: {  	v10 =	vmul.f32 v10, v12;
	v22 =	vand.u32 $0x3FFF, v13;
	v47 =	vadd.s32 $0x2710, v43;
	[tilespmem:v27+s15+$0x0] =	vst.idx.add.f32.msk $0xffff, v16  }
0x9d: {  	v19 =	vand.u32 $0x3FFF, v9;
	v29 =	vadd.s32 $0x2710, v22;
	v15 =	vld.idx.msk [tilespmem:v28+s3+$0x0], $0xffff  }
0x9e: {  	v48 =	vadd.s32 $0x2710, v19;
	[tilespmem:v33+s15+$0x0] =	vst.idx.add.f32.msk $0xffff, v10  }
0x9f: {  	v14 =	vshrl.u32 v14, $0xE;
	v10 =	vshrl.u32 v18, $0xE;
	v25 =	vld.idx.msk [tilespmem:v26+s3+$0x0], $0xffff  }
0xa0: {  	v12 =	vshrl.u32 v23, $0xE;
	v16 =	vshrl.u32 v24, $0xE;
	v33 =	vadd.s32 $0x7530, v14;
	v24 =	vld.idx.msk [tilespmem:v30+s3+$0x0], $0xffff  }
0xa1: {  	v20 =	vshrl.u32 v20, $0xE;
	v27 =	vshrl.u32 v21, $0xE;
	v17 =	vshll.u32 v38, $0x10;
	v21 =	vld.idx.msk [tilespmem:v31+s3+$0x0], $0xffff  }
0xa2: {  	v18 =	vand.u32 $0xFFFF0000, v38;
	v23 =	vmul.f32 v17, v34;
	v26 =	vld.idx.msk [tilespmem:v32+s3+$0x0], $0xffff  }
0xa3: {  	v39 =	vmul.f32 v18, v34;
	v18 =	vadd.s32 $0x4E20, v12;
	v31 =	vshll.u32 v15, $0x10;
	v30 =	vld.idx.msk [tilespmem:v35+s3+$0x0], $0xffff  }
0xa4: {  	v17 =	vadd.s32 $0x4E20, v20;
	v52 =	vand.u32 $0xFFFF0000, v15;
	v51 =	vld.idx.msk [tilespmem:v36+s3+$0x0], $0xffff;
	v36 =	vadd.s32 $0x4E20, v10  }
0xa5: {  	v15 =	vadd.s32 $0x7530, v27;
	v35 =	vld.idx.msk [tilespmem:v37+s3+$0x0], $0xffff  }
0xa6: {  	v44 =	vadd.s32 $0x4E20, v14;
	v28 =	vadd.s32 $0x2710, v27;
	v49 =	vshll.u32 v25, $0x10;
	v53 =	vld.idx.msk [tilespmem:v40+s3+$0x0], $0xffff  }
0xa7: {  	v46 =	vadd.s32 $0x2710, v14;
	v50 =	vand.u32 $0xFFFF0000, v25;
	v38 =	vshll.u32 v24, $0x10;
	[tilespmem:v14+s15+$0x0] =	vst.idx.add.f32.msk $0xffff, v23  }
0xa8: {  	v42 =	vshll.u32 v26, $0x10;
	v40 =	vand.u32 $0xFFFF0000, v26;
	v26 =	vand.u32 $0xFFFF0000, v24;
	v23 =	vld.idx.msk [tilespmem:v41+s3+$0x0], $0xffff  }
.Ltmp1:
0xa9: {  	v54 =	vmul.f32 v31, v4;
	v14 =	vadd.s32 $0x7530, v10;
	v25 =	vshll.u32 v30, $0x10;
	v32 =	vld.idx.msk [tilespmem:v43+s3+$0x0], $0xffff;
	(pc) =	sbr.rel @p0 .LBB2_5-.Ltmp1, $4  }
0xaa: {  	v37 =	vadd.s32 $0x4E20, v27;
	v24 =	vand.u32 $0xFFFF0000, v30;
	v31 =	vld.idx.msk [tilespmem:v48+s3+$0x0], $0xffff;
	v48 =	vshll.u32 v51, $0x10  }
0xab: {  	v49 =	vmul.f32 v49, v34;
	v41 =	vshll.u32 v35, $0x10;
	v43 =	vand.u32 $0xFFFF0000, v35;
	v30 =	vld.idx.msk [tilespmem:v45+s3+$0x0], $0xffff  }
0xac: {  	v50 =	vmul.f32 v50, v34;
	v34 =	vshll.u32 v53, $0x10;
	v35 =	vld.idx.msk [tilespmem:v47+s3+$0x0], $0xffff;
	v47 =	vand.u32 $0xFFFF0000, v53  }
0xad: {  	s26 =	sadd.s32 $0xA0, s26;
	s25 =	sadd.s32 $0xA0, s25;
	v45 =	vmul.f32 v34, v5;
	v34 =	vand.u32 $0xFFFF0000, v51;
	v51 =	vmul.f32 v52, v4;
	[tilespmem:v10+s15+$0x0] =	vst.idx.add.f32.msk $0xffff, v54  }
0xae: {  	_ =	sdelay $0x3  }
0xaf: {  	[tilespmem:v44+s15+$0x0] =	vst.idx.add.f32.msk $0xffff, v39  }
0xb0: {  	v29 =	vld.idx.msk [tilespmem:v29+s3+$0x0], $0xffff  }
0xb1: {  	v22 =	vld.idx.msk [tilespmem:v22+s3+$0x0], $0xffff  }
0xb2: {  	v19 =	vld.idx.msk [tilespmem:v19+s3+$0x0], $0xffff  }
0xb3: {  	[tilespmem:v46+s15+$0x0] =	vst.idx.add.f32.msk $0xffff, v49  }
0xb4: {  	[tilespmem:v36+s15+$0x0] =	vst.idx.add.f32.msk $0xffff, v51  }
0xb5: {  	v53 =	vmul.f32 v42, v7;
	[tilespmem:v16+s15+$0x0] =	vst.idx.add.f32.msk $0xffff, v45  }
0xb6: {  	v56 =	vmul.f32 v41, v8;
	[tilespmem:v33+s15+$0x0] =	vst.idx.add.f32.msk $0xffff, v50  }
0xb7: {  	v54 =	vmul.f32 v40, v7;
	[tilespmem:v27+s15+$0x0] =	vst.idx.add.f32.msk $0xffff, v53  }
0xb8: {  	v27 =	vmul.f32 v38, v6;
	[tilespmem:v12+s15+$0x0] =	vst.idx.add.f32.msk $0xffff, v56  }
0xb9: {  	v55 =	vadd.s32 $0x4E20, v16;
	v57 =	vmul.f32 v43, v8;
	[tilespmem:v37+s15+$0x0] =	vst.idx.add.f32.msk $0xffff, v54  }
0xba: {  	v13 =	vshrl.u32 v13, $0xE;
	[tilespmem:v20+s15+$0x0] =	vst.idx.add.f32.msk $0xffff, v27;
	v27 =	vmul.f32 v48, v7  }
0xbb: {  	v59 =	vadd.s32 $0x2710, v12;
	[tilespmem:v18+s15+$0x0] =	vst.idx.add.f32.msk $0xffff, v57;
	v7 =	vmul.f32 v34, v7  }
0xbc: {  	v25 =	vmul.f32 v25, v6;
	v58 =	vshll.u32 v22, $0x10;
	[tilespmem:v28+s15+$0x0] =	vst.idx.add.f32.msk $0xffff, v27;
	v28 =	vmul.f32 v47, v5  }
0xbd: {  	v11 =	vshrl.u32 v11, $0xE;
	v18 =	vadd.s32 $0x7530, v20;
	v37 =	vmul.f32 v58, v1;
	[tilespmem:v15+s15+$0x0] =	vst.idx.add.f32.msk $0xffff, v7  }
0xbe: {  	v27 =	vadd.s32 $0x2710, v20;
	v20 =	vmul.f32 v26, v6;
	v26 =	vshll.u32 v23, $0x10;
	[tilespmem:v55+s15+$0x0] =	vst.idx.add.f32.msk $0xffff, v28  }
0xbf: {  	v6 =	vmul.f32 v24, v6;
	v24 =	vshll.u32 v32, $0x10;
	v26 =	vmul.f32 v26, v8;
	[tilespmem:v13+s15+$0x0] =	vst.idx.add.f32.msk $0xffff, v37  }
0xc0: {  	v12 =	vadd.s32 $0x7530, v12;
	v24 =	vmul.f32 v24, v3;
	[tilespmem:v17+s15+$0x0] =	vst.idx.add.f32.msk $0xffff, v20  }
0xc1: {  	v17 =	vadd.s32 $0x4E20, v11;
	[tilespmem:v59+s15+$0x0] =	vst.idx.add.f32.msk $0xffff, v26  }
0xc2: {  	v23 =	vand.u32 $0xFFFF0000, v23;
	v20 =	vadd.s32 $0x2710, v16;
	[tilespmem:v11+s15+$0x0] =	vst.idx.add.f32.msk $0xffff, v24  }
0xc3: {  	v8 =	vmul.f32 v23, v8;
	v16 =	vadd.s32 $0x7530, v16;
	[tilespmem:v27+s15+$0x0] =	vst.idx.add.f32.msk $0xffff, v25;
	v25 =	vand.u32 $0xFFFF0000, v32  }
0xc4: {  	v7 =	vadd.s32 $0x4E20, v13;
	[tilespmem:v18+s15+$0x0] =	vst.idx.add.f32.msk $0xffff, v6;
	v6 =	vshll.u32 v30, $0x10;
	v18 =	vmul.f32 v25, v3  }
0xc5: {  	v10 =	vadd.s32 $0x2710, v10;
	v15 =	vand.u32 $0xFFFF0000, v30;
	[tilespmem:v12+s15+$0x0] =	vst.idx.add.f32.msk $0xffff, v8;
	v6 =	vmul.f32 v6, v5  }
0xc6: {  	v5 =	vmul.f32 v15, v5;
	v15 =	vand.u32 $0xFFFF0000, v22;
	[tilespmem:v17+s15+$0x0] =	vst.idx.add.f32.msk $0xffff, v18  }
0xc7: {  	v9 =	vshrl.u32 v9, $0xE;
	v15 =	vmul.f32 v15, v1;
	[tilespmem:v20+s15+$0x0] =	vst.idx.add.f32.msk $0xffff, v6;
	v6 =	vshll.u32 v21, $0x10  }
0xc8: {  	[tilespmem:v16+s15+$0x0] =	vst.idx.add.f32.msk $0xffff, v5;
	v5 =	vand.u32 $0xFFFF0000, v21;
	v16 =	vadd.s32 $0x4E20, v9;
	v6 =	vmul.f32 v6, v4  }
0xc9: {  	v8 =	vadd.s32 $0x2710, v11;
	v12 =	vshll.u32 v19, $0x10;
	[tilespmem:v7+s15+$0x0] =	vst.idx.add.f32.msk $0xffff, v15;
	v4 =	vmul.f32 v5, v4  }
0xca: {  	v7 =	vand.u32 $0xFFFF0000, v19;
	v5 =	vadd.s32 $0x7530, v11;
	v11 =	vmul.f32 v12, v2;
	[tilespmem:v10+s15+$0x0] =	vst.idx.add.f32.msk $0xffff, v6  }
0xcb: {  	v7 =	vmul.f32 v7, v2;
	v6 =	vshll.u32 v35, $0x10;
	v10 =	vadd.s32 $0x2710, v13;
	[tilespmem:v14+s15+$0x0] =	vst.idx.add.f32.msk $0xffff, v4  }
0xcc: {  	v4 =	vand.u32 $0xFFFF0000, v35;
	v6 =	vmul.f32 v6, v3;
	[tilespmem:v9+s15+$0x0] =	vst.idx.add.f32.msk $0xffff, v11;
	v11 =	vadd.s32 $0x2710, v9  }
0xcd: {  	v12 =	vshll.u32 v29, $0x10;
	v3 =	vmul.f32 v4, v3;
	v4 =	vadd.s32 $0x7530, v9;
	[tilespmem:v16+s15+$0x0] =	vst.idx.add.f32.msk $0xffff, v7  }
0xce: {  	v12 =	vmul.f32 v12, v1;
	v9 =	vadd.s32 $0x7530, v13;
	v7 =	vshll.u32 v31, $0x10;
	[tilespmem:v8+s15+$0x0] =	vst.idx.add.f32.msk $0xffff, v6  }
0xcf: {  	v6 =	vand.u32 $0xFFFF0000, v31;
	v7 =	vmul.f32 v7, v2;
	[tilespmem:v5+s15+$0x0] =	vst.idx.add.f32.msk $0xffff, v3  }
0xd0: {  	v2 =	vmul.f32 v6, v2;
	v3 =	vand.u32 $0xFFFF0000, v29;
	[tilespmem:v10+s15+$0x0] =	vst.idx.add.f32.msk $0xffff, v12  }
0xd1: {  	v1 =	vmul.f32 v3, v1;
	[tilespmem:v11+s15+$0x0] =	vst.idx.add.f32.msk $0xffff, v7  }
0xd2: {  	[tilespmem:v4+s15+$0x0] =	vst.idx.add.f32.msk $0xffff, v2  }
0xd3: {  	[tilespmem:v9+s15+$0x0] =	vst.idx.add.f32.msk $0xffff, v1  }
0xd4: {  	_ =	swait.ge [sflag:s16], $0x1F40  }
0xd5: {  	[sflag:s16] =	ssyncset.done $0x0  }
0xd6: {  	p0 =	seq.s32 s21, $0x13;
	[sflag:s16] =	ssyncadd.s32 $0xFFFFE0C0  }
0xd7: {  	s29 =	simm.s32 $0x0;
	s22 =	sshrl.u32 @!p0 s22, $0x3;
	_ =	swait.ge [sflag:s16], $0x1F40  }
0xd8: {  	s24 =	simm.s32 @!p0 $0x0;
	s22 =	sadd.s32 @!p0 $0x7D0, s22;
	[sflag:s16] =	ssyncset.done $0x0  }
0xd9: {  	s25 =	simm.s32 @!p0 $0xEB00;
	s23 =	sadd.s32 @!p0 s4, s22;
	[sflag:s16] =	ssyncadd.s32 $0xFFFFE0C0  }
0xda: {  	[tilespmem:s25], [sflag:$0x1] =	stream.linear.gather @!p0 [hbm4b:s23+s24], $0x1F40, $0x38;
	[tilespmem:$0x16900] =	vst v63  }
0xdb: {  	s30 =	sand.u32 $0x1FE0, s29;
	s22 =	sadd.s32 @!p0 s2, s22;
	s23 =	simm.s32 @!p0 $0x12A00  }
0xdc: {  	[tilespmem:s23], [sflag:$0x1] =	stream.linear.gather @!p0 [hbm4b:s22+s24], $0x1F40, $0x38;
	[tilespmem:$0x16900] =	vst v63  }
0xdd: {  	s31 =	simm.s32 $0x149D0;
	v9 =	vld [tilespmem:s30+$0x10B00]  }
0xde: {  	v2 =	vld [tilespmem:s31+$0xFFFFFFC0]  }
0xdf: {  	v1 =	vld [tilespmem:s31+$0xFFFFFFD0]  }
0xe0: {  	v3 =	vld [tilespmem:s31+$0xFFFFFFE0]  }
0xe1: {  	v6 =	vld [tilespmem:s31+$0x20]  }
0xe2: {  	v8 =	vld [tilespmem:s31+$0x0]  }
0xe3: {  	v7 =	vld [tilespmem:s31+$0x10]  }
0xe4: {  	s22 =	simm.s32 $0x10AD0;
	v34 =	vld [tilespmem:s31+$0xFFFFFFB0]  }
0xe5: {  	v15 =	vld [tilespmem:s22+$0xFFFFFFB0]  }
0xe6: {  	v17 =	vld [tilespmem:s22+$0x20]  }
0xe7: {  	v14 =	vld [tilespmem:s30+$0x14A00]  }
0xe8: {  	v16 =	vld [tilespmem:s22+$0x40]  }
0xe9: {  	v20 =	vld [tilespmem:s22+$0x0];
	v4 =	vand.u32 $0x3FFF, v9  }
0xea: {  	v18 =	vld [tilespmem:s22+$0x10];
	v21 =	vand.u32 $0x3FFF, v15  }
0xeb: {  	v11 =	vld [tilespmem:s22+$0xFFFFFFE0];
	v30 =	vand.u32 $0x3FFF, v17  }
0xec: {  	v23 =	vld [tilespmem:s22+$0xFFFFFFF0];
	v5 =	vadd.s32 $0x2710, v4  }
0xed: {  	v13 =	vld [tilespmem:s22+$0xFFFFFFD0];
	v61 =	vadd.s32 $0x2710, v30  }
0xee: {  	v62 =	vand.u32 $0x3FFF, v20;
	v10 =	vld.idx.msk [tilespmem:v4+s3+$0x0], $0xffff  }
0xef: {  	v31 =	vld.idx.msk [tilespmem:v21+s3+$0x0], $0xffff  }
0xf0: {  	v41 =	vand.u32 $0x3FFF, v11;
	v30 =	vld.idx.msk [tilespmem:v30+s3+$0x0], $0xffff  }
0xf1: {  	v12 =	vld.idx.msk [tilespmem:v5+s3+$0x0], $0xffff  }
0xf2: {  	v19 =	vshrl.u32 v9, $0xE;
	v26 =	vand.u32 $0x3FFF, v16;
	v60 =	vand.u32 $0x3FFF, v18;
	v35 =	vld.idx.msk [tilespmem:v61+s3+$0x0], $0xffff  }
0xf3: {  	v58 =	vshrl.u32 v15, $0xE;
	v22 =	vadd.s32 $0x4E20, v19;
	v24 =	vadd.s32 $0x2710, v19;
	v61 =	vld.idx.msk [tilespmem:v62+s3+$0x0], $0xffff  }
0xf4: {  	v28 =	vadd.s32 $0x7530, v19;
	v40 =	vadd.s32 $0x2710, v62;
	v63 =	vadd.s32 $0x2710, v41;
	v4 =	vld [tilespmem:s31+$0x40]  }
0xf5: {  	v33 =	vadd.s32 $0x7530, v58;
	v44 =	vadd.s32 $0x4E20, v58;
	v32 =	vld.idx.msk [tilespmem:v41+s3+$0x0], $0xffff;
	v9 =	vshll.u32 v10, $0x10  }
0xf6: {  	v46 =	vadd.s32 $0x2710, v58;
	v5 =	vld [tilespmem:s31+$0xFFFFFFF0];
	v10 =	vand.u32 $0xFFFF0000, v10;
	v25 =	vmul.f32 v9, v14  }
0xf7: {  	v15 =	vshll.u32 v31, $0x10;
	v38 =	vshll.u32 v30, $0x10;
	v9 =	vld [tilespmem:s22+$0xFFFFFFC0];
	v27 =	vshll.u32 v12, $0x10  }
0xf8: {  	v10 =	vmul.f32 v10, v14;
	v41 =	vshll.u32 v61, $0x10;
	[tilespmem:v19+s15+$0x0] =	vst.idx.add.f32.msk $0xffff, v25;
	v25 =	vadd.s32 $0x2710, v21  }
0xf9: {  	v19 =	vmul.f32 v27, v14;
	v21 =	vadd.s32 $0x2710, v26;
	v26 =	vld.idx.msk [tilespmem:v26+s3+$0x0], $0xffff;
	v27 =	vshrl.u32 v18, $0xE  }
0xfa: {  	v18 =	vand.u32 $0xFFFF0000, v31;
	[tilespmem:v22+s15+$0x0] =	vst.idx.add.f32.msk $0xffff, v10;
	v10 =	vand.u32 $0xFFFF0000, v12;
	v22 =	vand.u32 $0x3FFF, v13  }
0xfb: {  	v31 =	vld.idx.msk [tilespmem:v60+s3+$0x0], $0xffff;
	v12 =	vshrl.u32 v20, $0xE;
	v10 =	vmul.f32 v10, v14;
	v14 =	vadd.s32 $0x2710, v60  }
0xfc: {  	v20 =	vshrl.u32 v17, $0xE;
	v39 =	vmul.f32 v18, v34;
	[tilespmem:v24+s15+$0x0] =	vst.idx.add.f32.msk $0xffff, v19;
	v24 =	vand.u32 $0x3FFF, v23  }
0xfd: {  	[tilespmem:v28+s15+$0x0] =	vst.idx.add.f32.msk $0xffff, v10;
	v10 =	vshrl.u32 v16, $0xE;
	v16 =	vshrl.u32 v23, $0xE;
	v23 =	vmul.f32 v15, v34  }
0xfe: {  	v37 =	vadd.s32 $0x4E20, v27;
	v29 =	vadd.s32 $0x2710, v22;
	v18 =	vadd.s32 $0x4E20, v12;
	v25 =	vld.idx.msk [tilespmem:v25+s3+$0x0], $0xffff  }
0xff: {  	v17 =	vadd.s32 $0x4E20, v20;
	v43 =	vadd.s32 $0x2710, v24;
	v19 =	vand.u32 $0x3FFF, v9;
	[tilespmem:v58+s15+$0x0] =	vst.idx.add.f32.msk $0xffff, v23  }
0x100: {  	v57 =	vadd.s32 $0x2710, v19;
	v15 =	vadd.s32 $0x7530, v27;
	v28 =	vadd.s32 $0x2710, v27;
	v60 =	vld.idx.msk [tilespmem:v14+s3+$0x0], $0xffff  }
0x101: {  	v59 =	vshll.u32 v26, $0x10;
	v52 =	vand.u32 $0xFFFF0000, v26;
	v36 =	vadd.s32 $0x4E20, v10;
	v53 =	vld.idx.msk [tilespmem:v24+s3+$0x0], $0xffff  }
0x102: {  	v42 =	vshll.u32 v31, $0x10;
	v26 =	vand.u32 $0xFFFF0000, v30;
	v23 =	vld.idx.msk [tilespmem:v40+s3+$0x0], $0xffff;
	v40 =	vand.u32 $0xFFFF0000, v31  }
0x103: {  	v21 =	vld.idx.msk [tilespmem:v21+s3+$0x0], $0xffff;
	v55 =	vmul.f32 v59, v4;
	v51 =	vmul.f32 v52, v4;
	v14 =	vadd.s32 $0x7530, v10  }
0x104: {  	v24 =	vand.u32 $0xFFFF0000, v35;
	v30 =	vld.idx.msk [tilespmem:v43+s3+$0x0], $0xffff;
	v43 =	vand.u32 $0xFFFF0000, v61;
	v62 =	vshll.u32 v25, $0x10  }
0x105: {  	v31 =	vld.idx.msk [tilespmem:v57+s3+$0x0], $0xffff;
	v54 =	vand.u32 $0xFFFF0000, v25;
	v25 =	vshll.u32 v35, $0x10;
	v49 =	vmul.f32 v62, v34  }
0x106: {  	v35 =	vld.idx.msk [tilespmem:v63+s3+$0x0], $0xffff;
	v50 =	vmul.f32 v54, v34;
	v48 =	vshll.u32 v60, $0x10;
	v63 =	vshll.u32 v53, $0x10  }
0x107: {  	s25 =	simm.s32 $0xA0;
	s23 =	simm.s32 $0x0;
	s24 =	simm.s32 $0x14A70;
	[tilespmem:v10+s15+$0x0] =	vst.idx.add.f32.msk $0xffff, v55;
	v47 =	vand.u32 $0xFFFF0000, v53;
	v34 =	vand.u32 $0xFFFF0000, v60;
	v45 =	vmul.f32 v63, v5  }
.LBB2_7:
0x108: {  	s26 =	sand.u32 $0x1FE0, s25;
	s23 =	sadd.s32 $0xA, s23;
	[tilespmem:v44+s15+$0x0] =	vst.idx.add.f32.msk $0xffff, v39;
	v39 =	vshll.u32 v21, $0x10;
	v21 =	vand.u32 $0xFFFF0000, v21;
	s22 =	sadd.s32 $0xA0, s22  }
0x109: {  	v44 =	vand.u32 $0xFFFF0000, v32;
	p0 =	slt.u32 s23, $0x1EA;
	v29 =	vld.idx.msk [tilespmem:v29+s3+$0x0], $0xffff  }
0x10a: {  	v48 =	vmul.f32 v48, v7;
	[tilespmem:v46+s15+$0x0] =	vst.idx.add.f32.msk $0xffff, v49;
	v46 =	vshll.u32 v31, $0x10;
	v31 =	vand.u32 $0xFFFF0000, v31  }
0x10b: {  	v49 =	vshll.u32 v30, $0x10;
	[tilespmem:v33+s15+$0x0] =	vst.idx.add.f32.msk $0xffff, v50;
	v33 =	vadd.s32 $0x4E20, v16;
	v50 =	vadd.s32 $0x2710, v20  }
0x10c: {  	v42 =	vmul.f32 v42, v7;
	v52 =	vshll.u32 v35, $0x10;
	v35 =	vand.u32 $0xFFFF0000, v35;
	[tilespmem:v36+s15+$0x0] =	vst.idx.add.f32.msk $0xffff, v51  }
0x10d: {  	v40 =	vmul.f32 v40, v7;
	v36 =	vmul.f32 v46, v2;
	v46 =	vadd.s32 $0x7530, v20;
	v22 =	vld.idx.msk [tilespmem:v22+s3+$0x0], $0xffff  }
0x10e: {  	v47 =	vmul.f32 v47, v5;
	v31 =	vmul.f32 v31, v2;
	[tilespmem:v27+s15+$0x0] =	vst.idx.add.f32.msk $0xffff, v42  }
0x10f: {  	v43 =	vmul.f32 v43, v8;
	v38 =	vmul.f32 v38, v6;
	v42 =	vadd.s32 $0x2710, v16;
	v27 =	vld.idx.msk [tilespmem:v19+s3+$0x0], $0xffff  }
0x110: {  	v11 =	vshrl.u32 v11, $0xE;
	v53 =	vadd.s32 $0x2710, v12;
	v51 =	vand.u32 $0xFFFF0000, v23;
	v19 =	vld [tilespmem:s26+$0x10B00]  }
0x111: {  	v13 =	vshrl.u32 v13, $0xE;
	v41 =	vmul.f32 v41, v8;
	v54 =	vadd.s32 $0x4E20, v11;
	[tilespmem:v20+s15+$0x0] =	vst.idx.add.f32.msk $0xffff, v38  }
0x112: {  	v23 =	vshll.u32 v23, $0x10;
	v20 =	vshll.u32 v32, $0x10;
	[tilespmem:v16+s15+$0x0] =	vst.idx.add.f32.msk $0xffff, v45;
	v16 =	vadd.s32 $0x7530, v16  }
0x113: {  	v23 =	vmul.f32 v23, v8;
	v32 =	vadd.s32 $0x4E20, v13;
	v38 =	vadd.s32 $0x2710, v11;
	[tilespmem:v37+s15+$0x0] =	vst.idx.add.f32.msk $0xffff, v40  }
0x114: {  	v8 =	vmul.f32 v51, v8;
	v37 =	vshll.u32 v22, $0x10;
	v40 =	vshll.u32 v29, $0x10;
	[tilespmem:v28+s15+$0x0] =	vst.idx.add.f32.msk $0xffff, v48  }
0x115: {  	v30 =	vand.u32 $0xFFFF0000, v30;
	v28 =	vand.u32 $0xFFFF0000, v29;
	v29 =	vmul.f32 v44, v3;
	[tilespmem:v12+s15+$0x0] =	vst.idx.add.f32.msk $0xffff, v41  }
0x116: {  	v37 =	vmul.f32 v37, v1;
	v44 =	vadd.s32 $0x7530, v11;
	v41 =	vmul.f32 v52, v3;
	[tilespmem:v18+s15+$0x0] =	vst.idx.add.f32.msk $0xffff, v43  }
0x117: {  	v26 =	vmul.f32 v26, v6;
	v18 =	vshll.u32 v27, $0x10;
	v27 =	vand.u32 $0xFFFF0000, v27;
	[tilespmem:v33+s15+$0x0] =	vst.idx.add.f32.msk $0xffff, v47  }
0x118: {  	v25 =	vmul.f32 v25, v6;
	[tilespmem:v13+s15+$0x0] =	vst.idx.add.f32.msk $0xffff, v37  }
0x119: {  	v7 =	vmul.f32 v34, v7;
	v33 =	vmul.f32 v35, v3;
	[tilespmem:v17+s15+$0x0] =	vst.idx.add.f32.msk $0xffff, v26  }
0x11a: {  	v6 =	vmul.f32 v24, v6;
	v17 =	vmul.f32 v49, v5;
	[tilespmem:v50+s15+$0x0] =	vst.idx.add.f32.msk $0xffff, v25  }
0x11b: {  	v24 =	vadd.s32 $0x2710, v13;
	v3 =	vmul.f32 v20, v3;
	v5 =	vmul.f32 v30, v5;
	[tilespmem:v53+s15+$0x0] =	vst.idx.add.f32.msk $0xffff, v23  }
0x11c: {  	v13 =	vadd.s32 $0x7530, v13;
	[tilespmem:v46+s15+$0x0] =	vst.idx.add.f32.msk $0xffff, v6  }
0x11d: {  	v6 =	vadd.s32 $0x7530, v12;
	[tilespmem:v15+s15+$0x0] =	vst.idx.add.f32.msk $0xffff, v7  }
0x11e: {  	v7 =	vand.u32 $0xFFFF0000, v22;
	[tilespmem:v11+s15+$0x0] =	vst.idx.add.f32.msk $0xffff, v3  }
0x11f: {  	v3 =	vmul.f32 v7, v1;
	v7 =	vadd.s32 $0x2710, v10;
	[tilespmem:v54+s15+$0x0] =	vst.idx.add.f32.msk $0xffff, v29  }
0x120: {  	[tilespmem:v42+s15+$0x0] =	vst.idx.add.f32.msk $0xffff, v17  }
0x121: {  	v9 =	vshrl.u32 v9, $0xE;
	[tilespmem:v16+s15+$0x0] =	vst.idx.add.f32.msk $0xffff, v5  }
0x122: {  	v5 =	vadd.s32 $0x4E20, v9;
	[tilespmem:v6+s15+$0x0] =	vst.idx.add.f32.msk $0xffff, v8;
	v6 =	vmul.f32 v39, v4  }
0x123: {  	v8 =	vmul.f32 v18, v2;
	[tilespmem:v32+s15+$0x0] =	vst.idx.add.f32.msk $0xffff, v3;
	v3 =	vmul.f32 v21, v4  }
0x124: {  	v2 =	vmul.f32 v27, v2;
	[tilespmem:v7+s15+$0x0] =	vst.idx.add.f32.msk $0xffff, v6  }
0x125: {  	v4 =	vmul.f32 v40, v1;
	[tilespmem:v14+s15+$0x0] =	vst.idx.add.f32.msk $0xffff, v3  }
0x126: {  	v1 =	vmul.f32 v28, v1;
	v3 =	vadd.s32 $0x2710, v9;
	[tilespmem:v9+s15+$0x0] =	vst.idx.add.f32.msk $0xffff, v8  }
0x127: {  	[tilespmem:v5+s15+$0x0] =	vst.idx.add.f32.msk $0xffff, v2;
	v2 =	vadd.s32 $0x7530, v9  }
0x128: {  	[tilespmem:v38+s15+$0x0] =	vst.idx.add.f32.msk $0xffff, v41  }
0x129: {  	[tilespmem:v44+s15+$0x0] =	vst.idx.add.f32.msk $0xffff, v33  }
0x12a: {  	[tilespmem:v24+s15+$0x0] =	vst.idx.add.f32.msk $0xffff, v4  }
0x12b: {  	[tilespmem:v3+s15+$0x0] =	vst.idx.add.f32.msk $0xffff, v36  }
0x12c: {  	[tilespmem:v2+s15+$0x0] =	vst.idx.add.f32.msk $0xffff, v31  }
0x12d: {  	[tilespmem:v13+s15+$0x0] =	vst.idx.add.f32.msk $0xffff, v1  }
0x12e: {  	v2 =	vld [tilespmem:s24+$0xFFFFFFC0]  }
0x12f: {  	v4 =	vand.u32 $0x3FFF, v19;
	v1 =	vld [tilespmem:s24+$0xFFFFFFD0]  }
0x130: {  	v5 =	vadd.s32 $0x2710, v4;
	v3 =	vld [tilespmem:s24+$0xFFFFFFE0]  }
0x131: {  	v6 =	vld [tilespmem:s24+$0x20]  }
0x132: {  	v8 =	vld [tilespmem:s24+$0x0]  }
0x133: {  	v7 =	vld [tilespmem:s24+$0x10]  }
0x134: {  	v9 =	vld.idx.msk [tilespmem:v4+s3+$0x0], $0xffff  }
0x135: {  	v10 =	vld.idx.msk [tilespmem:v5+s3+$0x0], $0xffff  }
0x136: {  	v5 =	vld [tilespmem:s24+$0xFFFFFFF0]  }
0x137: {  	v4 =	vld [tilespmem:s24+$0x40]  }
0x138: {  	v34 =	vld [tilespmem:s24+$0xFFFFFFB0]  }
0x139: {  	v12 =	vld [tilespmem:s26+$0x14A00]  }
0x13a: {  	v15 =	vshll.u32 v9, $0x10;
	v16 =	vand.u32 $0xFFFF0000, v9;
	v14 =	vld [tilespmem:s22+$0xFFFFFFB0]  }
0x13b: {  	v17 =	vshll.u32 v10, $0x10;
	v18 =	vld [tilespmem:s22+$0x40]  }
0x13c: {  	v20 =	vld [tilespmem:s22+$0x20]  }
0x13d: {  	v21 =	vld [tilespmem:s22+$0x10]  }
0x13e: {  	v19 =	vshrl.u32 v19, $0xE;
	v23 =	vld [tilespmem:s22+$0x0]  }
0x13f: {  	v25 =	vadd.s32 $0x4E20, v19;
	v22 =	vand.u32 $0x3FFF, v14;
	v24 =	vld [tilespmem:s22+$0xFFFFFFF0]  }
0x140: {  	v27 =	vadd.s32 $0x2710, v19;
	v26 =	vadd.s32 $0x2710, v22;
	v11 =	vld [tilespmem:s22+$0xFFFFFFE0];
	v28 =	vand.u32 $0x3FFF, v18  }
0x141: {  	v15 =	vmul.f32 v15, v12;
	v13 =	vld [tilespmem:s22+$0xFFFFFFD0];
	v30 =	vand.u32 $0x3FFF, v20;
	v31 =	vadd.s32 $0x2710, v28  }
0x142: {  	v33 =	vadd.s32 $0x7530, v19;
	v9 =	vld [tilespmem:s22+$0xFFFFFFC0];
	v32 =	vand.u32 $0x3FFF, v21;
	v35 =	vadd.s32 $0x2710, v30  }
0x143: {  	v37 =	vand.u32 $0x3FFF, v23;
	v36 =	vadd.s32 $0x2710, v32;
	[tilespmem:v19+s15+$0x0] =	vst.idx.add.f32.msk $0xffff, v15;
	v15 =	vmul.f32 v16, v12  }
0x144: {  	v16 =	vmul.f32 v17, v12;
	v38 =	vld.idx.msk [tilespmem:v22+s3+$0x0], $0xffff;
	v40 =	vand.u32 $0x3FFF, v24;
	v41 =	vadd.s32 $0x2710, v37  }
0x145: {  	v10 =	vand.u32 $0xFFFF0000, v10;
	v43 =	vand.u32 $0x3FFF, v11;
	v45 =	vadd.s32 $0x2710, v40;
	[tilespmem:v25+s15+$0x0] =	vst.idx.add.f32.msk $0xffff, v15  }
0x146: {  	v10 =	vmul.f32 v10, v12;
	v22 =	vand.u32 $0x3FFF, v13;
	v47 =	vadd.s32 $0x2710, v43;
	[tilespmem:v27+s15+$0x0] =	vst.idx.add.f32.msk $0xffff, v16  }
0x147: {  	v19 =	vand.u32 $0x3FFF, v9;
	v29 =	vadd.s32 $0x2710, v22;
	v15 =	vld.idx.msk [tilespmem:v28+s3+$0x0], $0xffff  }
0x148: {  	v48 =	vadd.s32 $0x2710, v19;
	[tilespmem:v33+s15+$0x0] =	vst.idx.add.f32.msk $0xffff, v10  }
0x149: {  	v14 =	vshrl.u32 v14, $0xE;
	v10 =	vshrl.u32 v18, $0xE;
	v25 =	vld.idx.msk [tilespmem:v26+s3+$0x0], $0xffff  }
0x14a: {  	v12 =	vshrl.u32 v23, $0xE;
	v16 =	vshrl.u32 v24, $0xE;
	v33 =	vadd.s32 $0x7530, v14;
	v24 =	vld.idx.msk [tilespmem:v30+s3+$0x0], $0xffff  }
0x14b: {  	v20 =	vshrl.u32 v20, $0xE;
	v27 =	vshrl.u32 v21, $0xE;
	v17 =	vshll.u32 v38, $0x10;
	v21 =	vld.idx.msk [tilespmem:v31+s3+$0x0], $0xffff  }
0x14c: {  	v18 =	vand.u32 $0xFFFF0000, v38;
	v23 =	vmul.f32 v17, v34;
	v26 =	vld.idx.msk [tilespmem:v32+s3+$0x0], $0xffff  }
0x14d: {  	v39 =	vmul.f32 v18, v34;
	v18 =	vadd.s32 $0x4E20, v12;
	v31 =	vshll.u32 v15, $0x10;
	v30 =	vld.idx.msk [tilespmem:v35+s3+$0x0], $0xffff  }
0x14e: {  	v17 =	vadd.s32 $0x4E20, v20;
	v52 =	vand.u32 $0xFFFF0000, v15;
	v51 =	vld.idx.msk [tilespmem:v36+s3+$0x0], $0xffff;
	v36 =	vadd.s32 $0x4E20, v10  }
0x14f: {  	v15 =	vadd.s32 $0x7530, v27;
	v35 =	vld.idx.msk [tilespmem:v37+s3+$0x0], $0xffff  }
0x150: {  	v44 =	vadd.s32 $0x4E20, v14;
	v28 =	vadd.s32 $0x2710, v27;
	v49 =	vshll.u32 v25, $0x10;
	v53 =	vld.idx.msk [tilespmem:v40+s3+$0x0], $0xffff  }
0x151: {  	v46 =	vadd.s32 $0x2710, v14;
	v50 =	vand.u32 $0xFFFF0000, v25;
	v38 =	vshll.u32 v24, $0x10;
	[tilespmem:v14+s15+$0x0] =	vst.idx.add.f32.msk $0xffff, v23  }
0x152: {  	v42 =	vshll.u32 v26, $0x10;
	v40 =	vand.u32 $0xFFFF0000, v26;
	v26 =	vand.u32 $0xFFFF0000, v24;
	v23 =	vld.idx.msk [tilespmem:v41+s3+$0x0], $0xffff  }
.Ltmp2:
0x153: {  	v54 =	vmul.f32 v31, v4;
	v14 =	vadd.s32 $0x7530, v10;
	v25 =	vshll.u32 v30, $0x10;
	v32 =	vld.idx.msk [tilespmem:v43+s3+$0x0], $0xffff;
	(pc) =	sbr.rel @p0 .LBB2_7-.Ltmp2, $4  }
0x154: {  	v37 =	vadd.s32 $0x4E20, v27;
	v24 =	vand.u32 $0xFFFF0000, v30;
	v31 =	vld.idx.msk [tilespmem:v48+s3+$0x0], $0xffff;
	v48 =	vshll.u32 v51, $0x10  }
0x155: {  	v49 =	vmul.f32 v49, v34;
	v41 =	vshll.u32 v35, $0x10;
	v43 =	vand.u32 $0xFFFF0000, v35;
	v30 =	vld.idx.msk [tilespmem:v45+s3+$0x0], $0xffff  }
0x156: {  	v50 =	vmul.f32 v50, v34;
	v34 =	vshll.u32 v53, $0x10;
	v35 =	vld.idx.msk [tilespmem:v47+s3+$0x0], $0xffff;
	v47 =	vand.u32 $0xFFFF0000, v53  }
0x157: {  	s25 =	sadd.s32 $0xA0, s25;
	s24 =	sadd.s32 $0xA0, s24;
	v45 =	vmul.f32 v34, v5;
	v34 =	vand.u32 $0xFFFF0000, v51;
	v51 =	vmul.f32 v52, v4;
	[tilespmem:v10+s15+$0x0] =	vst.idx.add.f32.msk $0xffff, v54  }
0x158: {  	_ =	sdelay $0x3  }
0x159: {  	[tilespmem:v44+s15+$0x0] =	vst.idx.add.f32.msk $0xffff, v39  }
0x15a: {  	v29 =	vld.idx.msk [tilespmem:v29+s3+$0x0], $0xffff  }
0x15b: {  	v22 =	vld.idx.msk [tilespmem:v22+s3+$0x0], $0xffff  }
0x15c: {  	v19 =	vld.idx.msk [tilespmem:v19+s3+$0x0], $0xffff  }
0x15d: {  	[tilespmem:v46+s15+$0x0] =	vst.idx.add.f32.msk $0xffff, v49  }
0x15e: {  	[tilespmem:v36+s15+$0x0] =	vst.idx.add.f32.msk $0xffff, v51  }
0x15f: {  	v44 =	vmul.f32 v42, v7;
	[tilespmem:v16+s15+$0x0] =	vst.idx.add.f32.msk $0xffff, v45  }
0x160: {  	v52 =	vmul.f32 v41, v8;
	[tilespmem:v33+s15+$0x0] =	vst.idx.add.f32.msk $0xffff, v50  }
0x161: {  	v46 =	vmul.f32 v38, v6;
	[tilespmem:v27+s15+$0x0] =	vst.idx.add.f32.msk $0xffff, v44  }
0x162: {  	v49 =	vmul.f32 v40, v7;
	[tilespmem:v12+s15+$0x0] =	vst.idx.add.f32.msk $0xffff, v52  }
0x163: {  	v53 =	vmul.f32 v43, v8;
	v54 =	vadd.s32 $0x2710, v20;
	[tilespmem:v20+s15+$0x0] =	vst.idx.add.f32.msk $0xffff, v46  }
0x164: {  	v57 =	vadd.s32 $0x2710, v12;
	v50 =	vmul.f32 v48, v7;
	[tilespmem:v37+s15+$0x0] =	vst.idx.add.f32.msk $0xffff, v49  }
0x165: {  	v59 =	vmul.f32 v26, v6;
	[tilespmem:v18+s15+$0x0] =	vst.idx.add.f32.msk $0xffff, v53  }
0x166: {  	v60 =	vshll.u32 v23, $0x10;
	v25 =	vmul.f32 v25, v6;
	v51 =	vadd.s32 $0x4E20, v16;
	[tilespmem:v28+s15+$0x0] =	vst.idx.add.f32.msk $0xffff, v50  }
0x167: {  	v58 =	vadd.s32 $0x7530, v20;
	v26 =	vmul.f32 v60, v8;
	[tilespmem:v17+s15+$0x0] =	vst.idx.add.f32.msk $0xffff, v59  }
0x168: {  	v39 =	vadd.s32 $0x7530, v12;
	v33 =	vmul.f32 v34, v7;
	[tilespmem:v54+s15+$0x0] =	vst.idx.add.f32.msk $0xffff, v25  }
0x169: {  	v55 =	vmul.f32 v47, v5;
	v11 =	vshrl.u32 v11, $0xE;
	[tilespmem:v57+s15+$0x0] =	vst.idx.add.f32.msk $0xffff, v26  }
0x16a: {  	v13 =	vshrl.u32 v13, $0xE;
	v62 =	vmul.f32 v24, v6;
	v42 =	vand.u32 $0xFFFF0000, v23;
	[tilespmem:v15+s15+$0x0] =	vst.idx.add.f32.msk $0xffff, v33  }
0x16b: {  	v61 =	vadd.s32 $0x4E20, v11;
	v44 =	vmul.f32 v42, v8;
	v28 =	vshll.u32 v32, $0x10;
	[tilespmem:v51+s15+$0x0] =	vst.idx.add.f32.msk $0xffff, v55  }
0x16c: {  	v9 =	vshrl.u32 v9, $0xE;
	v56 =	vshll.u32 v22, $0x10;
	v24 =	vmul.f32 v28, v3;
	[tilespmem:v58+s15+$0x0] =	vst.idx.add.f32.msk $0xffff, v62  }
0x16d: {  	v40 =	vadd.s32 $0x4E20, v13;
	v34 =	vand.u32 $0xFFFF0000, v32;
	v37 =	vmul.f32 v56, v1;
	[tilespmem:v39+s15+$0x0] =	vst.idx.add.f32.msk $0xffff, v44  }
0x16e: {  	v48 =	vadd.s32 $0x4E20, v9;
	v38 =	vmul.f32 v34, v3;
	v50 =	vshll.u32 v19, $0x10;
	[tilespmem:v11+s15+$0x0] =	vst.idx.add.f32.msk $0xffff, v24  }
0x16f: {  	v63 =	vadd.s32 $0x2710, v16;
	v45 =	vand.u32 $0xFFFF0000, v22;
	v54 =	vmul.f32 v50, v2;
	[tilespmem:v13+s15+$0x0] =	vst.idx.add.f32.msk $0xffff, v37  }
0x170: {  	v53 =	vand.u32 $0xFFFF0000, v19;
	v15 =	vmul.f32 v45, v1;
	v56 =	vadd.s32 $0x2710, v13;
	[tilespmem:v61+s15+$0x0] =	vst.idx.add.f32.msk $0xffff, v38  }
0x171: {  	v7 =	vmul.f32 v53, v2;
	v58 =	vadd.s32 $0x2710, v9;
	v37 =	vshll.u32 v30, $0x10;
	[tilespmem:v9+s15+$0x0] =	vst.idx.add.f32.msk $0xffff, v54  }
0x172: {  	v10 =	vadd.s32 $0x2710, v10;
	v59 =	vshll.u32 v29, $0x10;
	v6 =	vmul.f32 v37, v5;
	[tilespmem:v40+s15+$0x0] =	vst.idx.add.f32.msk $0xffff, v15  }
0x173: {  	v36 =	vadd.s32 $0x7530, v16;
	v12 =	vmul.f32 v59, v1;
	v61 =	vshll.u32 v31, $0x10;
	[tilespmem:v48+s15+$0x0] =	vst.idx.add.f32.msk $0xffff, v7  }
0x174: {  	v46 =	vshll.u32 v21, $0x10;
	v49 =	vadd.s32 $0x2710, v11;
	v7 =	vmul.f32 v61, v2;
	[tilespmem:v63+s15+$0x0] =	vst.idx.add.f32.msk $0xffff, v6  }
0x175: {  	v41 =	vand.u32 $0xFFFF0000, v30;
	v52 =	vadd.s32 $0x7530, v11;
	v6 =	vmul.f32 v46, v4;
	[tilespmem:v56+s15+$0x0] =	vst.idx.add.f32.msk $0xffff, v12  }
0x176: {  	v43 =	vmul.f32 v41, v5;
	v55 =	vshll.u32 v35, $0x10;
	[tilespmem:v58+s15+$0x0] =	vst.idx.add.f32.msk $0xffff, v7  }
0x177: {  	s21 =	sadd.s32 $0x1, s21;
	v60 =	vadd.s32 $0x7530, v9;
	v57 =	vand.u32 $0xFFFF0000, v35;
	[tilespmem:v10+s15+$0x0] =	vst.idx.add.f32.msk $0xffff, v6;
	v6 =	vmul.f32 v55, v3  }
0x178: {  	v47 =	vand.u32 $0xFFFF0000, v21;
	p0 =	sne.s32 s21, $0x14;
	v62 =	vadd.s32 $0x7530, v13;
	[tilespmem:v36+s15+$0x0] =	vst.idx.add.f32.msk $0xffff, v43;
	v3 =	vmul.f32 v57, v3  }
.Ltmp3:
0x179: {  	v51 =	vmul.f32 v47, v4;
	v63 =	vand.u32 $0xFFFF0000, v31;
	[tilespmem:v49+s15+$0x0] =	vst.idx.add.f32.msk $0xffff, v6;
	(pc) =	sbr.rel @p0 .LBB2_4-.Ltmp3, $4  }
0x17a: {  	v2 =	vmul.f32 v63, v2;
	[tilespmem:v52+s15+$0x0] =	vst.idx.add.f32.msk $0xffff, v3;
	v3 =	vand.u32 $0xFFFF0000, v29  }
0x17b: {  	[tilespmem:v14+s15+$0x0] =	vst.idx.add.f32.msk $0xffff, v51;
	v1 =	vmul.f32 v3, v1  }
0x17c: {  	[tilespmem:v60+s15+$0x0] =	vst.idx.add.f32.msk $0xffff, v2  }
0x17d: {  	[tilespmem:v62+s15+$0x0] =	vst.idx.add.f32.msk $0xffff, v1  }
0x17e: {  	[hbm4b:s6+s3] =	stream.linear.scatter [tilespmem:s15], [sflag:$0x4], $0x4E20, $0x38;
	[tilespmem:$0x16900] =	vst v63  }
0x17f: {  	s19 =	sadd.s32 $0x1, s19;
	_ =	swait.ge [sflag:s17], $0x4E20  }
0x180: {  	p0 =	sne.s32 s19, s8;
	[sflag:s17] =	ssyncset.done $0x0  }
.Ltmp4:
0x181: {  	[sflag:s17] =	ssyncadd.s32 $0xFFFFB1E0;
	(pc) =	sbr.rel @p0 .LBB2_1-.Ltmp4, $4  }
0x182: {  	[hbm4b:s7+s3] =	stream.linear.scatter [tilespmem:s18], [sflag:$0x4], $0x4E20, $0x38;
	[tilespmem:$0x16900] =	vst v63  }
0x183: {  	_ =	swait.ge [sflag:s17], $0x4E20  }
0x184: {  	[sflag:s17] =	ssyncset.done $0x0  }
0x185: {  	[sflag:s17] =	ssyncadd.s32 $0xFFFFB1E0  }
0x186: {  	_ =	sfence.sel $0x180000  }
0x187: {  	[bflag:$0x0] =	sbarrier.arrive $0xFFFF  }
0x188: {  	p0 =	sne.s32 s0, $0x0;
	_ =	strace $0x90000047  }
0x189: {  	s0 =	sadd.s32 @!p0 $0x100000, s1;
	[bflag:$0x2] =	sbarrier.arrive $0xFFFF  }
0x18a: {  	[sflag:s0] =	ssyncadd.tile.s32 @!p0 $0x1;
	_ =	shalt  }
.Lfunc_end2:
_tile_overlayer_lowered:
.L_overlay_start_2:
0x18b: {  	(tag) =	ssettag $0x2  }
0x18c: {  	s0 =	rddreg [dreg:$0x0];
	s2 =	stileid.u32  }
0x18d: {  	s1 =	rddreg [dreg:$0x1];
	p0 =	sne.s32 s2, $0x0  }
0x18e: {  	s3 =	rddreg [dreg:$0x2];
	[bflag:$0x3] =	sbarrier.arrive $0xFFFF;
	s2 =	simm.s32 @!p0 $0x1C04  }
0x18f: {  	[timem:s3], [sflag:s2] =	dma.local @!p0 [hbm:s0], s1  }
0x190: {  	s0 =	simm.s32 @!p0 $0x4  }
0x191: {  	_ =	swait.ge @!p0 [sflag:s0], s1  }
0x192: {  	s1 =	ssub.s32 @!p0 $0x0, s1;
	[sflag:s0] =	ssyncset.done @!p0 $0x0  }
0x193: {  	[sflag:s0] =	ssyncadd.s32 @!p0 s1  }
0x194: {  	[bflag:$0x3] =	sbarrier.arrive $0xFFFF  }
0x195: {  	_ =	shalt  }

</sc_bundles>
